<compile_context>
chip_gen: v7x
topology: tpu7x:2x2x1
jax: 0.10.2.dev20260603
libtpu: 0.0.44.dev20260713+nightly
codegen_flags: <defaults>
</compile_context>

<pallas_src>
import jax
import jax.numpy as jnp
from jax.experimental import pallas as pl
from jax.experimental.pallas import tpu as pltpu
from jax.experimental.pallas import tpu_sc as plsc

NQ = 4096
QDIM = 16
NK = 100000
NKPAD = 100352
BQ = 256
KT = 7168
NQB = NQ // BQ
NKT = NKPAD // KT
W = 128
GPT = KT // W
NB = NKPAD // W
NSEL = 20
TOPK = 16
NEG = float(-3.0e38)
IBIG = 2**30


def _l2norm(x, eps=1e-12):
    norm = jnp.linalg.norm(x, ord=2, axis=1, keepdims=True)
    return x / jnp.clip(norm, eps, None)


def _stage1_body(q_ref, kt_ref, sims_ref, bidx_ref, m_ref):
    j = pl.program_id(1)
    q = q_ref[...]
    kt = kt_ref[...]
    sims = jnp.dot(q, kt, preferred_element_type=jnp.float32)

    @pl.when(j == NKT - 1)
    def _():
        lanes = jax.lax.broadcasted_iota(jnp.int32, (BQ, KT), 1) + j * KT
        sims3p = jnp.where(lanes < NK, sims, jnp.float32(NEG)).reshape(
            BQ, GPT, W)
        sims_ref[...] = sims3p
        m_ref[j] = jnp.max(sims3p, axis=2)

    @pl.when(j < NKT - 1)
    def _():
        sims3 = sims.reshape(BQ, GPT, W)
        sims_ref[...] = sims3
        m_ref[j] = jnp.max(sims3, axis=2)

    @pl.when(j == NKT - 1)
    def _():
        M = jnp.transpose(m_ref[...], (1, 0, 2)).reshape(BQ, NB)
        bio = jax.lax.broadcasted_iota(jnp.int32, (BQ, NB), 1)
        cols = []
        for _ in range(NSEL):
            m = jnp.max(M, axis=1, keepdims=True)
            cand = jnp.where(M == m, bio, IBIG)
            bi = jnp.min(cand, axis=1, keepdims=True)
            cols.append(bi)
            M = jnp.where(bio == bi, jnp.float32(NEG), M)
        bidx_ref[...] = jnp.concatenate(cols, axis=1)


def _stage1(qb, kbt):
    return pl.pallas_call(
        _stage1_body,
        grid=(NQB, NKT),
        in_specs=[pl.BlockSpec((BQ, QDIM), lambda i, j: (i, 0)),
                  pl.BlockSpec((QDIM, KT), lambda i, j: (0, j))],
        out_specs=[pl.BlockSpec((BQ, GPT, W), lambda i, j: (i, j, 0)),
                   pl.BlockSpec((BQ, NSEL), lambda i, j: (i, 0))],
        out_shape=[jax.ShapeDtypeStruct((NQ, NB, W), jnp.float32),
                   jax.ShapeDtypeStruct((NQ, NSEL), jnp.int32)],
        scratch_shapes=[pltpu.VMEM((NKT, BQ, GPT), jnp.float32)],
        compiler_params=pltpu.CompilerParams(
            dimension_semantics=("parallel", "arbitrary")),
    )(qb, kbt)


def _sc_gather(sims_flat, flat_idx):
    nrows = NQ * NSEL
    window = 128
    mesh = plsc.VectorSubcoreMesh(core_axis_name="core",
                                  subcore_axis_name="subcore")

    @pl.kernel(out_type=jax.ShapeDtypeStruct((nrows, W), jnp.float32),
               mesh=mesh)
    def kern(x_hbm, i_hbm, o_hbm):
        def body(i_vmem, o_vmem):
            pltpu.sync_copy(x_hbm.at[i_vmem.at[0]], o_vmem)

        pltpu.emit_pipeline(
            body,
            grid=(nrows // window,),
            in_specs=[pl.BlockSpec((1, window), lambda i: (0, i))],
            out_specs=[pl.BlockSpec((window, W), lambda i: (i, 0))],
            core_axis_name=("core", "subcore"),
            dimension_semantics=(pltpu.PARALLEL,),
        )(i_hbm, o_hbm)

    return kern(sims_flat, flat_idx)


def _stage4_body(g_ref, bidx_ref, vals_ref, idx_ref):
    g = g_ref[...]
    bi = bidx_ref[...]
    lane = jax.lax.broadcasted_iota(jnp.int32, (BQ, W), 1)
    gidx = jnp.concatenate([bi[:, s:s + 1] * W + lane for s in range(NSEL)],
                           axis=1)
    vcols, icols = [], []
    for _ in range(TOPK):
        m = jnp.max(g, axis=1, keepdims=True)
        cand = jnp.where(g == m, gidx, IBIG)
        mi = jnp.min(cand, axis=1, keepdims=True)
        vcols.append(m)
        icols.append(mi)
        g = jnp.where(gidx == mi, jnp.float32(NEG), g)
    vals_ref[...] = jnp.concatenate(vcols, axis=1)
    idx_ref[...] = jnp.concatenate(icols, axis=1)


def _stage4(g, bidx):
    return pl.pallas_call(
        _stage4_body,
        grid=(NQB,),
        in_specs=[pl.BlockSpec((BQ, NSEL * W), lambda i: (i, 0)),
                  pl.BlockSpec((BQ, NSEL), lambda i: (i, 0))],
        out_specs=[pl.BlockSpec((BQ, TOPK), lambda i: (i, 0)),
                   pl.BlockSpec((BQ, TOPK), lambda i: (i, 0))],
        out_shape=[jax.ShapeDtypeStruct((NQ, TOPK), jnp.float32),
                   jax.ShapeDtypeStruct((NQ, TOPK), jnp.int32)],
        compiler_params=pltpu.CompilerParams(
            dimension_semantics=("parallel",)),
    )(g, bidx)


def kernel(queries, keys, k):
    qn = _l2norm(queries)
    kn = _l2norm(keys)
    qb = qn.astype(jnp.bfloat16)
    kbt = jnp.pad(kn.T.astype(jnp.bfloat16), ((0, 0), (0, NKPAD - NK)))
    sims, bidx = _stage1(qb, kbt)
    flat_idx = (bidx + NB * jnp.arange(NQ, dtype=jnp.int32)[:, None])
    flat_idx = flat_idx.reshape(1, NQ * NSEL)
    g = _sc_gather(sims.reshape(NQ * NB, W), flat_idx)
    vals, idx = _stage4(g.reshape(NQ, NSEL * W), bidx)
    k_static = queries.shape[1]
    vals = vals + jnp.asarray(k - k_static, vals.dtype)
    return vals, idx

# --- scband reference (transcript-rebuilt; emitter-appended) ---
"""Pipeline reference for scband-encoder-hetero-hg-transformer-batch-38946763440360 (READ-ONLY COPY).

The authoritative reference and input builder live on the scoring server;
editing this copy changes nothing except your own understanding.
"""

import jax, jax.numpy as jnp
import numpy as np


def setup_inputs(seed: int = 0) -> dict:
    key = jax.random.key(seed)
    kq, kk = jax.random.split(key)
    queries = jax.random.normal(kq, (4096, 16), dtype=jnp.float32)
    keys = jax.random.normal(kk, (100000, 16), dtype=jnp.float32)
    return {"queries": queries, "keys": keys, "k": 16}


def _l2_normalize(x, eps=1e-12):
    # faithful to torch.nn.functional.normalize(p=2, dim=1)
    norm = jnp.linalg.norm(x, ord=2, axis=1, keepdims=True)
    return x / jnp.clip(norm, eps, None)


def reference(queries, keys, k):
    # Mirrors build_resource_knn_hyperedges: L2-normalize features,
    # cosine similarity matrix via matmul, then top-k neighbor retrieval.
    qn = _l2_normalize(queries)
    kn = _l2_normalize(keys)
    sim_matrix = jnp.matmul(qn, kn.T)
    k_static = queries.shape[1]
    knn_vals, knn_indices = jax.lax.top_k(sim_matrix, k_static)
    knn_vals = knn_vals + jnp.asarray(k - k_static, knn_vals.dtype)
    return knn_vals, knn_indices

if __name__ == "__main__":
    import jax
    _d = setup_inputs()
    print(jax.jit(kernel)(*tuple(_d.values())))

</pallas_src>

<mosaic_0001>
#map = affine_map<(d0, d1) -> (0, 0)>
module attributes {stable_mosaic.version = 14 : i64} {
  func.func @kern(%arg0: i32, %arg1: i32, %arg2: memref<3211264x128xf32, #tpu.memory_space<hbm>>, %arg3: memref<1x81920xi32, #tpu.memory_space<hbm>>, %arg4: memref<81920x128xf32, #tpu.memory_space<hbm>>) attributes {dimension_semantics = [#tpu.dimension_semantics<core_parallel>, #tpu.dimension_semantics<subcore_parallel>], iteration_bounds = array<i64: 2, 16>, scalar_prefetch = 0 : i64, scratch_operands = 0 : i64, tpu.core_type = #tpu.core_type<sc_vector_subcore>, window_params = [{transform_indices = #map}, {transform_indices = #map}, {transform_indices = #map}]} {
    %mul3A = arith.constant 1 : i32
    %mul3A_0 = arith.muli %arg1, %mul3A : i32
    %add3A = arith.constant 0 : i32
    %add3A_1 = arith.addi %add3A, %mul3A_0 : i32
    %mul3A_2 = arith.constant 16 : i32
    %mul3A_3 = arith.muli %arg0, %mul3A_2 : i32
    %add3A_4 = arith.addi %add3A_1, %mul3A_3 : i32
    %mul3A_5 = arith.constant 20 : i32
    %mul3A_6 = arith.muli %add3A_4, %mul3A_5 : i32
    "tpu.region"() ({
      %run_scoped3A = memref.alloca() : memref<2x1x128xi32, #tpu.memory_space<vmem>>
      %run_scoped3A_7 = tpu.sem_alloc : memref<2x!tpu.dma_semaphore, #tpu.memory_space<semaphore_mem>>
      %run_scoped3A_8 = memref.alloca() : memref<2x128x128xf32, #tpu.memory_space<vmem>>
      %run_scoped3A_9 = tpu.sem_alloc : memref<2x!tpu.dma_semaphore, #tpu.memory_space<semaphore_mem>>
      %add3A_10 = arith.constant 0 : i32
      %add3A_11 = arith.addi %add3A_10, %mul3A_6 : i32
      %select_n3A = arith.constant true
      %select_n3A_12 = arith.constant 0 : i32
      %select_n3A_13 = arith.constant -1 : i32
      %select_n3A_14 = arith.select %select_n3A, %select_n3A_13, %select_n3A_12 : i32
      %eq3A = arith.constant -1 : i32
      %eq3A_15 = arith.cmpi eq, %select_n3A_14, %eq3A : i32
      %select_n3A_16 = arith.constant 19 : i32
      %select_n3A_17 = arith.select %eq3A_15, %select_n3A_16, %select_n3A_14 : i32
      %add3A_18 = arith.addi %select_n3A_17, %mul3A_6 : i32
      %select_n3A_19 = arith.constant true
      %select_n3A_20 = arith.constant 0 : i32
      %select_n3A_21 = arith.constant 1 : i32
      %select_n3A_22 = arith.select %select_n3A_19, %select_n3A_21, %select_n3A_20 : i32
      %eq3A_23 = arith.constant 20 : i32
      %eq3A_24 = arith.cmpi eq, %select_n3A_22, %eq3A_23 : i32
      %select_n3A_25 = arith.constant 0 : i32
      %select_n3A_26 = arith.select %eq3A_24, %select_n3A_25, %select_n3A_22 : i32
      %add3A_27 = arith.addi %select_n3A_26, %mul3A_6 : i32
      %add3A_28 = arith.constant 1 : i32
      %add3A_29 = arith.addi %select_n3A_26, %add3A_28 : i32
      %select_n3A_30 = arith.constant true
      %select_n3A_31 = arith.select %select_n3A_30, %add3A_29, %select_n3A_26 : i32
      %eq3A_32 = arith.constant 20 : i32
      %eq3A_33 = arith.cmpi eq, %select_n3A_31, %eq3A_32 : i32
      %select_n3A_34 = arith.constant 0 : i32
      %select_n3A_35 = arith.select %eq3A_33, %select_n3A_34, %select_n3A_31 : i32
      %add3A_36 = arith.addi %select_n3A_35, %mul3A_6 : i32
      "tpu.trace_start"() <{level = 10 : i32, message = "ep_initialize_0"}> : () -> ()
      %rem3A = arith.constant 0 : i32
      %rem3A_37 = arith.constant 2 : i32
      %rem3A_38 = arith.remui %rem3A, %rem3A_37 : i32
      %mul3A_39 = arith.constant 128 : i32
      %mul3A_40 = arith.muli %mul3A_39, %add3A_11 : i32
      %dma_start3A = arith.constant 0 : i32
      %dma_start3A_41 = arith.constant 0 : i32
      %dma_start3A_42 = tpu.memref_slice %run_scoped3A[%rem3A_38, %dma_start3A, %dma_start3A_41] : memref<2x1x128xi32, #tpu.memory_space<vmem>> -> memref<1x1x128xi32, #tpu.memory_space<vmem>>
      %dma_start3A_43 = tpu.memref_squeeze %dma_start3A_42 : memref<1x1x128xi32, #tpu.memory_space<vmem>> -> memref<1x128xi32, #tpu.memory_space<vmem>>
      %dma_start3A_44 = arith.constant 0 : i32
      %dma_start3A_45 = tpu.memref_slice %arg3[%dma_start3A_44, %mul3A_40] : memref<1x81920xi32, #tpu.memory_space<hbm>> -> memref<1x128xi32, #tpu.memory_space<hbm>>
      %dma_start3A_46 = tpu.memref_slice %run_scoped3A_7[%rem3A_38] : memref<2x!tpu.dma_semaphore, #tpu.memory_space<semaphore_mem>> -> memref<1x!tpu.dma_semaphore, #tpu.memory_space<semaphore_mem>>
      %dma_start3A_47 = tpu.memref_squeeze %dma_start3A_46 : memref<1x!tpu.dma_semaphore, #tpu.memory_space<semaphore_mem>> -> memref<!tpu.dma_semaphore, #tpu.memory_space<semaphore_mem>>
      %dma_start3A_48 = arith.constant 0 : i32
      %dma_start3A_49 = arith.constant 0 : i32
      %dma_start3A_50 = tpu.memref_slice %run_scoped3A[%rem3A_38, %dma_start3A_48, %dma_start3A_49] : memref<2x1x128xi32, #tpu.memory_space<vmem>> -> memref<1x1x128xi32, #tpu.memory_space<vmem>>
      %dma_start3A_51 = tpu.memref_squeeze %dma_start3A_50 : memref<1x1x128xi32, #tpu.memory_space<vmem>> -> memref<1x128xi32, #tpu.memory_space<vmem>>
      %dma_start3A_52 = arith.constant 0 : i32
      %dma_start3A_53 = tpu.memref_slice %arg3[%dma_start3A_52, %mul3A_40] : memref<1x81920xi32, #tpu.memory_space<hbm>> -> memref<1x128xi32, #tpu.memory_space<hbm>>
      tpu.enqueue_dma source(%dma_start3A_53 : memref<1x128xi32, #tpu.memory_space<hbm>>) target(%dma_start3A_51 : memref<1x128xi32, #tpu.memory_space<vmem>>) target_semaphore(%dma_start3A_47 : memref<!tpu.dma_semaphore, #tpu.memory_space<semaphore_mem>>)
      %add3A_54 = arith.constant 0 : i32
      %add3A_55 = arith.constant 1 : i32
      %add3A_56 = arith.addi %add3A_54, %add3A_55 : i32
      %select_n3A_57 = arith.constant true
      %select_n3A_58 = arith.constant 0 : i32
      %select_n3A_59 = arith.select %select_n3A_57, %add3A_56, %select_n3A_58 : i32
      "tpu.trace_stop"() : () -> ()
      %scan3A = arith.constant 0 : i32
      %scan3A_60 = arith.constant 0 : i32
      %scan3A_61 = arith.constant 0 : i32
      %scan3A_62 = arith.constant 0 : i32
      %scan3A_63 = arith.constant 0 : i32
      %scan3A_64 = arith.constant 20 : i32
      %scan3A_65 = arith.addi %scan3A_63, %scan3A_64 : i32
      %scan3A_66 = arith.constant 1 : i32
      %scan3A_67:5 = scf.for %scan3A_121 = %scan3A_63 to %scan3A_65 step %scan3A_66 iter_args(%scan3A_122 = %select_n3A_59, %scan3A_123 = %scan3A, %scan3A_124 = %scan3A_60, %scan3A_125 = %scan3A_61, %scan3A_126 = %scan3A_62) -> (i32, i32, i32, i32, i32)  : i32 {
        %eq3A_127 = arith.constant 0 : i32
        %eq3A_128 = arith.cmpi eq, %scan3A_121, %eq3A_127 : i32
        %eq3A_129 = arith.constant 19 : i32
        %eq3A_130 = arith.cmpi eq, %scan3A_121, %eq3A_129 : i32
        %add3A_131 = arith.addi %scan3A_126, %mul3A_6 : i32
        %sub3A_132 = arith.constant 1 : i32
        %sub3A_133 = arith.subi %scan3A_126, %sub3A_132 : i32
        %select_n3A_134 = arith.constant true
        %select_n3A_135 = arith.select %select_n3A_134, %sub3A_133, %scan3A_126 : i32
        %eq3A_136 = arith.constant -1 : i32
        %eq3A_137 = arith.cmpi eq, %select_n3A_135, %eq3A_136 : i32
        %select_n3A_138 = arith.constant 19 : i32
        %select_n3A_139 = arith.select %eq3A_137, %select_n3A_138, %select_n3A_135 : i32
        %add3A_140 = arith.addi %select_n3A_139, %mul3A_6 : i32
        %add3A_141 = arith.constant 1 : i32
        %add3A_142 = arith.addi %scan3A_126, %add3A_141 : i32
        %select_n3A_143 = arith.constant true
        %select_n3A_144 = arith.select %select_n3A_143, %add3A_142, %scan3A_126 : i32
        %eq3A_145 = arith.constant 20 : i32
        %eq3A_146 = arith.cmpi eq, %select_n3A_144, %eq3A_145 : i32
        %select_n3A_147 = arith.constant 0 : i32
        %select_n3A_148 = arith.select %eq3A_146, %select_n3A_147, %select_n3A_144 : i32
        %add3A_149 = arith.addi %select_n3A_148, %mul3A_6 : i32
        %add3A_150 = arith.constant 1 : i32
        %add3A_151 = arith.addi %select_n3A_148, %add3A_150 : i32
        %select_n3A_152 = arith.constant true
        %select_n3A_153 = arith.select %select_n3A_152, %add3A_151, %select_n3A_148 : i32
        %eq3A_154 = arith.constant 20 : i32
        %eq3A_155 = arith.cmpi eq, %select_n3A_153, %eq3A_154 : i32
        %select_n3A_156 = arith.constant 0 : i32
        %select_n3A_157 = arith.select %eq3A_155, %select_n3A_156, %select_n3A_153 : i32
        %add3A_158 = arith.addi %select_n3A_157, %mul3A_6 : i32
        %ne3A = arith.cmpi ne, %add3A_131, %add3A_149 : i32
        %or3A = arith.constant false
        %or3A_159 = arith.ori %or3A, %ne3A : i1
        %ge3A = arith.constant 19 : i32
        %ge3A_160 = arith.cmpi sge, %scan3A_121, %ge3A : i32
        %not3A = arith.constant true
        %not3A_161 = arith.xori %ge3A_160, %not3A : i1
        %and3A = arith.andi %or3A_159, %not3A_161 : i1
        %convert_element_type3A = arith.extui %and3A : i1 to i32
        %cond3A = arith.constant 0 : i32
        %cond3A_162 = arith.cmpi ne, %convert_element_type3A, %cond3A : i32
        scf.if %cond3A_162 {
          "tpu.trace_start"() <{level = 10 : i32, message = "ep_copy_in"}> : () -> ()
          %rem3A_264 = arith.constant 2 : i32
          %rem3A_265 = arith.remui %scan3A_122, %rem3A_264 : i32
          %mul3A_266 = arith.constant 128 : i32
          %mul3A_267 = arith.muli %mul3A_266, %add3A_149 : i32
          %dma_start3A_268 = arith.constant 0 : i32
          %dma_start3A_269 = arith.constant 0 : i32
          %dma_start3A_270 = tpu.memref_slice %run_scoped3A[%rem3A_265, %dma_start3A_268, %dma_start3A_269] : memref<2x1x128xi32, #tpu.memory_space<vmem>> -> memref<1x1x128xi32, #tpu.memory_space<vmem>>
          %dma_start3A_271 = tpu.memref_squeeze %dma_start3A_270 : memref<1x1x128xi32, #tpu.memory_space<vmem>> -> memref<1x128xi32, #tpu.memory_space<vmem>>
          %dma_start3A_272 = arith.constant 0 : i32
          %dma_start3A_273 = tpu.memref_slice %arg3[%dma_start3A_272, %mul3A_267] : memref<1x81920xi32, #tpu.memory_space<hbm>> -> memref<1x128xi32, #tpu.memory_space<hbm>>
          %dma_start3A_274 = tpu.memref_slice %run_scoped3A_7[%rem3A_265] : memref<2x!tpu.dma_semaphore, #tpu.memory_space<semaphore_mem>> -> memref<1x!tpu.dma_semaphore, #tpu.memory_space<semaphore_mem>>
          %dma_start3A_275 = tpu.memref_squeeze %dma_start3A_274 : memref<1x!tpu.dma_semaphore, #tpu.memory_space<semaphore_mem>> -> memref<!tpu.dma_semaphore, #tpu.memory_space<semaphore_mem>>
          %dma_start3A_276 = arith.constant 0 : i32
          %dma_start3A_277 = arith.constant 0 : i32
          %dma_start3A_278 = tpu.memref_slice %run_scoped3A[%rem3A_265, %dma_start3A_276, %dma_start3A_277] : memref<2x1x128xi32, #tpu.memory_space<vmem>> -> memref<1x1x128xi32, #tpu.memory_space<vmem>>
          %dma_start3A_279 = tpu.memref_squeeze %dma_start3A_278 : memref<1x1x128xi32, #tpu.memory_space<vmem>> -> memref<1x128xi32, #tpu.memory_space<vmem>>
          %dma_start3A_280 = arith.constant 0 : i32
          %dma_start3A_281 = tpu.memref_slice %arg3[%dma_start3A_280, %mul3A_267] : memref<1x81920xi32, #tpu.memory_space<hbm>> -> memref<1x128xi32, #tpu.memory_space<hbm>>
          tpu.enqueue_dma source(%dma_start3A_281 : memref<1x128xi32, #tpu.memory_space<hbm>>) target(%dma_start3A_279 : memref<1x128xi32, #tpu.memory_space<vmem>>) target_semaphore(%dma_start3A_275 : memref<!tpu.dma_semaphore, #tpu.memory_space<semaphore_mem>>)
          "tpu.trace_stop"() : () -> ()
        } else {
        }
        %and3A_163 = arith.constant true
        %and3A_164 = arith.andi %and3A, %and3A_163 : i1
        %add3A_165 = arith.constant 1 : i32
        %add3A_166 = arith.addi %scan3A_122, %add3A_165 : i32
        %select_n3A_167 = arith.select %and3A_164, %add3A_166, %scan3A_122 : i32
        %ne3A_168 = arith.cmpi ne, %add3A_131, %add3A_149 : i32
        %or3A_169 = arith.constant false
        %or3A_170 = arith.ori %or3A_169, %ne3A_168 : i1
        %or3A_171 = arith.constant false
        %or3A_172 = arith.ori %or3A_170, %or3A_171 : i1
        %ge3A_173 = arith.constant 19 : i32
        %ge3A_174 = arith.cmpi sge, %scan3A_121, %ge3A_173 : i32
        %not3A_175 = arith.constant true
        %not3A_176 = arith.xori %ge3A_174, %not3A_175 : i1
        %and3A_177 = arith.andi %or3A_172, %not3A_176 : i1
        %ne3A_178 = arith.cmpi ne, %add3A_131, %add3A_140 : i32
        %or3A_179 = arith.constant false
        %or3A_180 = arith.ori %or3A_179, %ne3A_178 : i1
        %or3A_181 = arith.ori %or3A_180, %eq3A_128 : i1
        %convert_element_type3A_182 = arith.extui %or3A_181 : i1 to i32
        %cond3A_183 = arith.constant 0 : i32
        %cond3A_184 = arith.cmpi ne, %convert_element_type3A_182, %cond3A_183 : i32
        scf.if %cond3A_184 {
          "tpu.trace_start"() <{level = 10 : i32, message = "ep_wait_in"}> : () -> ()
          %mul3A_264 = arith.constant 128 : i32
          %mul3A_265 = arith.muli %mul3A_264, %add3A_131 : i32
          %rem3A_266 = arith.constant 2 : i32
          %rem3A_267 = arith.remui %scan3A_123, %rem3A_266 : i32
          %dma_wait3A_268 = arith.constant 0 : i32
          %dma_wait3A_269 = arith.constant 0 : i32
          %dma_wait3A_270 = tpu.memref_slice %run_scoped3A[%rem3A_267, %dma_wait3A_268, %dma_wait3A_269] : memref<2x1x128xi32, #tpu.memory_space<vmem>> -> memref<1x1x128xi32, #tpu.memory_space<vmem>>
          %dma_wait3A_271 = tpu.memref_squeeze %dma_wait3A_270 : memref<1x1x128xi32, #tpu.memory_space<vmem>> -> memref<1x128xi32, #tpu.memory_space<vmem>>
          %dma_wait3A_272 = arith.constant 0 : i32
          %dma_wait3A_273 = tpu.memref_slice %arg3[%dma_wait3A_272, %mul3A_265] : memref<1x81920xi32, #tpu.memory_space<hbm>> -> memref<1x128xi32, #tpu.memory_space<hbm>>
          %dma_wait3A_274 = tpu.memref_slice %run_scoped3A_7[%rem3A_267] : memref<2x!tpu.dma_semaphore, #tpu.memory_space<semaphore_mem>> -> memref<1x!tpu.dma_semaphore, #tpu.memory_space<semaphore_mem>>
          %dma_wait3A_275 = tpu.memref_squeeze %dma_wait3A_274 : memref<1x!tpu.dma_semaphore, #tpu.memory_space<semaphore_mem>> -> memref<!tpu.dma_semaphore, #tpu.memory_space<semaphore_mem>>
          %dma_wait3A_276 = arith.constant 0 : i32
          %dma_wait3A_277 = arith.constant 0 : i32
          %dma_wait3A_278 = tpu.memref_slice %run_scoped3A[%rem3A_267, %dma_wait3A_276, %dma_wait3A_277] : memref<2x1x128xi32, #tpu.memory_space<vmem>> -> memref<1x1x128xi32, #tpu.memory_space<vmem>>
          %dma_wait3A_279 = tpu.memref_squeeze %dma_wait3A_278 : memref<1x1x128xi32, #tpu.memory_space<vmem>> -> memref<1x128xi32, #tpu.memory_space<vmem>>
          %dma_wait3A_280 = arith.constant 0 : i32
          %dma_wait3A_281 = tpu.memref_slice %arg3[%dma_wait3A_280, %mul3A_265] : memref<1x81920xi32, #tpu.memory_space<hbm>> -> memref<1x128xi32, #tpu.memory_space<hbm>>
          tpu.wait_dma2 semaphore(%dma_wait3A_275 : memref<!tpu.dma_semaphore, #tpu.memory_space<semaphore_mem>>) src(%dma_wait3A_281 : memref<1x128xi32, #tpu.memory_space<hbm>>) dst(%dma_wait3A_279 : memref<1x128xi32, #tpu.memory_space<vmem>>)
          "tpu.trace_stop"() : () -> ()
        } else {
        }
        %ne3A_185 = arith.cmpi ne, %add3A_131, %add3A_140 : i32
        %or3A_186 = arith.constant false
        %or3A_187 = arith.ori %or3A_186, %ne3A_185 : i1
        %or3A_188 = arith.constant false
        %or3A_189 = arith.ori %or3A_187, %or3A_188 : i1
        %or3A_190 = arith.ori %or3A_189, %eq3A_128 : i1
        %convert_element_type3A_191 = arith.extui %or3A_190 : i1 to i32
        %cond3A_192 = arith.constant 0 : i32
        %cond3A_193 = arith.cmpi ne, %convert_element_type3A_191, %cond3A_192 : i32
        scf.if %cond3A_193 {
        } else {
        }
        %rem3A_194 = arith.constant 2 : i32
        %rem3A_195 = arith.remui %scan3A_123, %rem3A_194 : i32
        %rem3A_196 = arith.constant 2 : i32
        %rem3A_197 = arith.remui %scan3A_124, %rem3A_196 : i32
        %run_scoped3A_198 = arith.constant 0 : i32
        "tpu.trace_start"() <{level = 10 : i32, message = "ep_run_kernel"}> : () -> ()
        "tpu.region"() ({
          %run_scoped3A_264 = tpu.sem_alloc : memref<!tpu.dma_semaphore, #tpu.memory_space<semaphore_mem>>
          %dma_start3A_265 = arith.constant 0 : i32
          %dma_start3A_266 = arith.constant 0 : i32
          %dma_start3A_267 = tpu.memref_slice %run_scoped3A_8[%rem3A_197, %dma_start3A_265, %dma_start3A_266] : memref<2x128x128xf32, #tpu.memory_space<vmem>> -> memref<1x128x128xf32, #tpu.memory_space<vmem>>
          %dma_start3A_268 = tpu.memref_squeeze %dma_start3A_267 : memref<1x128x128xf32, #tpu.memory_space<vmem>> -> memref<128x128xf32, #tpu.memory_space<vmem>>
          %dma_start3A_269 = arith.constant 0 : i32
          %dma_start3A_270 = arith.constant 0 : i32
          %dma_start3A_271 = tpu.memref_slice %run_scoped3A[%rem3A_195, %dma_start3A_269, %dma_start3A_270] : memref<2x1x128xi32, #tpu.memory_space<vmem>> -> memref<1x1x128xi32, #tpu.memory_space<vmem>>
          %dma_start3A_272 = tpu.memref_squeeze %dma_start3A_271 : memref<1x1x128xi32, #tpu.memory_space<vmem>> -> memref<1x128xi32, #tpu.memory_space<vmem>>
          %dma_start3A_273 = arith.constant 0 : i32
          %dma_start3A_274 = tpu.memref_slice %dma_start3A_272[%run_scoped3A_198, %dma_start3A_273] : memref<1x128xi32, #tpu.memory_space<vmem>> -> memref<1x128xi32, #tpu.memory_space<vmem>>
          %dma_start3A_275 = tpu.memref_squeeze %dma_start3A_274 : memref<1x128xi32, #tpu.memory_space<vmem>> -> memref<128xi32, #tpu.memory_space<vmem>>
          %dma_start3A_276 = arith.constant 0 : i32
          %dma_start3A_277 = arith.constant 0 : i32
          %dma_start3A_278 = tpu.memref_slice %arg2[%dma_start3A_276, %dma_start3A_277] : memref<3211264x128xf32, #tpu.memory_space<hbm>> -> memref<3211264x128xf32, #tpu.memory_space<hbm>>
          tpu.enqueue_indirect_dma source(%dma_start3A_278 : memref<3211264x128xf32, #tpu.memory_space<hbm>>) target(%dma_start3A_268 : memref<128x128xf32, #tpu.memory_space<vmem>>) offsets(%dma_start3A_275 : memref<128xi32, #tpu.memory_space<vmem>>) semaphore(%run_scoped3A_264 : memref<!tpu.dma_semaphore, #tpu.memory_space<semaphore_mem>>)
          %dma_wait3A_279 = arith.constant 0 : i32
          %dma_wait3A_280 = arith.constant 0 : i32
          %dma_wait3A_281 = tpu.memref_slice %run_scoped3A_8[%rem3A_197, %dma_wait3A_279, %dma_wait3A_280] : memref<2x128x128xf32, #tpu.memory_space<vmem>> -> memref<1x128x128xf32, #tpu.memory_space<vmem>>
          %dma_wait3A_282 = tpu.memref_squeeze %dma_wait3A_281 : memref<1x128x128xf32, #tpu.memory_space<vmem>> -> memref<128x128xf32, #tpu.memory_space<vmem>>
          %dma_wait3A_283 = arith.constant 0 : i32
          %dma_wait3A_284 = arith.constant 0 : i32
          %dma_wait3A_285 = tpu.memref_slice %run_scoped3A[%rem3A_195, %dma_wait3A_283, %dma_wait3A_284] : memref<2x1x128xi32, #tpu.memory_space<vmem>> -> memref<1x1x128xi32, #tpu.memory_space<vmem>>
          %dma_wait3A_286 = tpu.memref_squeeze %dma_wait3A_285 : memref<1x1x128xi32, #tpu.memory_space<vmem>> -> memref<1x128xi32, #tpu.memory_space<vmem>>
          %dma_wait3A_287 = arith.constant 0 : i32
          %dma_wait3A_288 = tpu.memref_slice %dma_wait3A_286[%run_scoped3A_198, %dma_wait3A_287] : memref<1x128xi32, #tpu.memory_space<vmem>> -> memref<1x128xi32, #tpu.memory_space<vmem>>
          %dma_wait3A_289 = tpu.memref_squeeze %dma_wait3A_288 : memref<1x128xi32, #tpu.memory_space<vmem>> -> memref<128xi32, #tpu.memory_space<vmem>>
          %dma_wait3A_290 = arith.constant 0 : i32
          %dma_wait3A_291 = arith.constant 0 : i32
          %dma_wait3A_292 = tpu.memref_slice %arg2[%dma_wait3A_290, %dma_wait3A_291] : memref<3211264x128xf32, #tpu.memory_space<hbm>> -> memref<3211264x128xf32, #tpu.memory_space<hbm>>
          tpu.wait_indirect_dma semaphore(%run_scoped3A_264 : memref<!tpu.dma_semaphore, #tpu.memory_space<semaphore_mem>>) src(%dma_wait3A_292 : memref<3211264x128xf32, #tpu.memory_space<hbm>>) dst(%dma_wait3A_282 : memref<128x128xf32, #tpu.memory_space<vmem>>)
          tpu.yield
        }) : () -> ()
        "tpu.trace_stop"() : () -> ()
        %ne3A_199 = arith.cmpi ne, %add3A_131, %add3A_149 : i32
        %or3A_200 = arith.constant false
        %or3A_201 = arith.ori %or3A_200, %ne3A_199 : i1
        %or3A_202 = arith.ori %or3A_201, %eq3A_130 : i1
        %convert_element_type3A_203 = arith.extui %or3A_202 : i1 to i32
        %cond3A_204 = arith.constant 0 : i32
        %cond3A_205 = arith.cmpi ne, %convert_element_type3A_203, %cond3A_204 : i32
        scf.if %cond3A_205 {
        } else {
        }
        %and3A_206 = arith.constant false
        %and3A_207 = arith.andi %or3A_202, %and3A_206 : i1
        %ne3A_208 = arith.cmpi ne, %add3A_131, %add3A_149 : i32
        %or3A_209 = arith.constant false
        %or3A_210 = arith.ori %or3A_209, %ne3A_208 : i1
        %or3A_211 = arith.constant false
        %or3A_212 = arith.ori %or3A_210, %or3A_211 : i1
        %or3A_213 = arith.ori %or3A_212, %eq3A_130 : i1
        %convert_element_type3A_214 = arith.extui %or3A_213 : i1 to i32
        %cond3A_215 = arith.constant 0 : i32
        %cond3A_216 = arith.cmpi ne, %convert_element_type3A_214, %cond3A_215 : i32
        scf.if %cond3A_216 {
          "tpu.trace_start"() <{level = 10 : i32, message = "ep_copy_out"}> : () -> ()
          %rem3A_264 = arith.constant 2 : i32
          %rem3A_265 = arith.remui %scan3A_124, %rem3A_264 : i32
          %mul3A_266 = arith.constant 128 : i32
          %mul3A_267 = arith.muli %mul3A_266, %add3A_131 : i32
          %dma_start3A_268 = arith.constant 0 : i32
          %dma_start3A_269 = arith.constant 0 : i32
          %dma_start3A_270 = tpu.memref_slice %run_scoped3A_8[%rem3A_265, %dma_start3A_268, %dma_start3A_269] : memref<2x128x128xf32, #tpu.memory_space<vmem>> -> memref<1x128x128xf32, #tpu.memory_space<vmem>>
          %dma_start3A_271 = tpu.memref_squeeze %dma_start3A_270 : memref<1x128x128xf32, #tpu.memory_space<vmem>> -> memref<128x128xf32, #tpu.memory_space<vmem>>
          %dma_start3A_272 = arith.constant 0 : i32
          %dma_start3A_273 = tpu.memref_slice %arg4[%mul3A_267, %dma_start3A_272] : memref<81920x128xf32, #tpu.memory_space<hbm>> -> memref<128x128xf32, #tpu.memory_space<hbm>>
          %dma_start3A_274 = tpu.memref_slice %run_scoped3A_9[%rem3A_265] : memref<2x!tpu.dma_semaphore, #tpu.memory_space<semaphore_mem>> -> memref<1x!tpu.dma_semaphore, #tpu.memory_space<semaphore_mem>>
          %dma_start3A_275 = tpu.memref_squeeze %dma_start3A_274 : memref<1x!tpu.dma_semaphore, #tpu.memory_space<semaphore_mem>> -> memref<!tpu.dma_semaphore, #tpu.memory_space<semaphore_mem>>
          %dma_start3A_276 = arith.constant 0 : i32
          %dma_start3A_277 = tpu.memref_slice %arg4[%mul3A_267, %dma_start3A_276] : memref<81920x128xf32, #tpu.memory_space<hbm>> -> memref<128x128xf32, #tpu.memory_space<hbm>>
          %dma_start3A_278 = arith.constant 0 : i32
          %dma_start3A_279 = arith.constant 0 : i32
          %dma_start3A_280 = tpu.memref_slice %run_scoped3A_8[%rem3A_265, %dma_start3A_278, %dma_start3A_279] : memref<2x128x128xf32, #tpu.memory_space<vmem>> -> memref<1x128x128xf32, #tpu.memory_space<vmem>>
          %dma_start3A_281 = tpu.memref_squeeze %dma_start3A_280 : memref<1x128x128xf32, #tpu.memory_space<vmem>> -> memref<128x128xf32, #tpu.memory_space<vmem>>
          tpu.enqueue_dma source(%dma_start3A_281 : memref<128x128xf32, #tpu.memory_space<vmem>>) target(%dma_start3A_277 : memref<128x128xf32, #tpu.memory_space<hbm>>) target_semaphore(%dma_start3A_275 : memref<!tpu.dma_semaphore, #tpu.memory_space<semaphore_mem>>)
          "tpu.trace_stop"() : () -> ()
        } else {
        }
        %and3A_217 = arith.constant true
        %and3A_218 = arith.andi %or3A_213, %and3A_217 : i1
        %add3A_219 = arith.constant 1 : i32
        %add3A_220 = arith.addi %scan3A_124, %add3A_219 : i32
        %select_n3A_221 = arith.select %and3A_218, %add3A_220, %scan3A_124 : i32
        %ne3A_222 = arith.cmpi ne, %add3A_131, %add3A_140 : i32
        %or3A_223 = arith.constant false
        %or3A_224 = arith.ori %or3A_223, %ne3A_222 : i1
        %not3A_225 = arith.constant true
        %not3A_226 = arith.xori %eq3A_128, %not3A_225 : i1
        %and3A_227 = arith.andi %or3A_224, %not3A_226 : i1
        %convert_element_type3A_228 = arith.extui %and3A_227 : i1 to i32
        %cond3A_229 = arith.constant 0 : i32
        %cond3A_230 = arith.cmpi ne, %convert_element_type3A_228, %cond3A_229 : i32
        scf.if %cond3A_230 {
        } else {
        }
        %and3A_231 = arith.constant false
        %and3A_232 = arith.andi %and3A_227, %and3A_231 : i1
        %ne3A_233 = arith.cmpi ne, %add3A_131, %add3A_140 : i32
        %or3A_234 = arith.constant false
        %or3A_235 = arith.ori %or3A_234, %ne3A_233 : i1
        %or3A_236 = arith.constant false
        %or3A_237 = arith.ori %or3A_235, %or3A_236 : i1
        %not3A_238 = arith.constant true
        %not3A_239 = arith.xori %eq3A_128, %not3A_238 : i1
        %and3A_240 = arith.andi %or3A_237, %not3A_239 : i1
        %convert_element_type3A_241 = arith.extui %and3A_240 : i1 to i32
        %cond3A_242 = arith.constant 0 : i32
        %cond3A_243 = arith.cmpi ne, %convert_element_type3A_241, %cond3A_242 : i32
        scf.if %cond3A_243 {
          "tpu.trace_start"() <{level = 10 : i32, message = "ep_wait_out"}> : () -> ()
          %rem3A_264 = arith.constant 2 : i32
          %rem3A_265 = arith.remui %scan3A_125, %rem3A_264 : i32
          %mul3A_266 = arith.constant 128 : i32
          %mul3A_267 = arith.muli %mul3A_266, %add3A_140 : i32
          %dma_wait3A_268 = arith.constant 0 : i32
          %dma_wait3A_269 = arith.constant 0 : i32
          %dma_wait3A_270 = tpu.memref_slice %run_scoped3A_8[%rem3A_265, %dma_wait3A_268, %dma_wait3A_269] : memref<2x128x128xf32, #tpu.memory_space<vmem>> -> memref<1x128x128xf32, #tpu.memory_space<vmem>>
          %dma_wait3A_271 = tpu.memref_squeeze %dma_wait3A_270 : memref<1x128x128xf32, #tpu.memory_space<vmem>> -> memref<128x128xf32, #tpu.memory_space<vmem>>
          %dma_wait3A_272 = arith.constant 0 : i32
          %dma_wait3A_273 = tpu.memref_slice %arg4[%mul3A_267, %dma_wait3A_272] : memref<81920x128xf32, #tpu.memory_space<hbm>> -> memref<128x128xf32, #tpu.memory_space<hbm>>
          %dma_wait3A_274 = tpu.memref_slice %run_scoped3A_9[%rem3A_265] : memref<2x!tpu.dma_semaphore, #tpu.memory_space<semaphore_mem>> -> memref<1x!tpu.dma_semaphore, #tpu.memory_space<semaphore_mem>>
          %dma_wait3A_275 = tpu.memref_squeeze %dma_wait3A_274 : memref<1x!tpu.dma_semaphore, #tpu.memory_space<semaphore_mem>> -> memref<!tpu.dma_semaphore, #tpu.memory_space<semaphore_mem>>
          %dma_wait3A_276 = arith.constant 0 : i32
          %dma_wait3A_277 = tpu.memref_slice %arg4[%mul3A_267, %dma_wait3A_276] : memref<81920x128xf32, #tpu.memory_space<hbm>> -> memref<128x128xf32, #tpu.memory_space<hbm>>
          %dma_wait3A_278 = arith.constant 0 : i32
          %dma_wait3A_279 = arith.constant 0 : i32
          %dma_wait3A_280 = tpu.memref_slice %run_scoped3A_8[%rem3A_265, %dma_wait3A_278, %dma_wait3A_279] : memref<2x128x128xf32, #tpu.memory_space<vmem>> -> memref<1x128x128xf32, #tpu.memory_space<vmem>>
          %dma_wait3A_281 = tpu.memref_squeeze %dma_wait3A_280 : memref<1x128x128xf32, #tpu.memory_space<vmem>> -> memref<128x128xf32, #tpu.memory_space<vmem>>
          tpu.wait_dma2 semaphore(%dma_wait3A_275 : memref<!tpu.dma_semaphore, #tpu.memory_space<semaphore_mem>>) src(%dma_wait3A_281 : memref<128x128xf32, #tpu.memory_space<vmem>>) dst(%dma_wait3A_277 : memref<128x128xf32, #tpu.memory_space<hbm>>)
          "tpu.trace_stop"() : () -> ()
        } else {
        }
        %and3A_244 = arith.constant true
        %and3A_245 = arith.andi %and3A_240, %and3A_244 : i1
        %add3A_246 = arith.constant 1 : i32
        %add3A_247 = arith.addi %scan3A_125, %add3A_246 : i32
        %select_n3A_248 = arith.select %and3A_245, %add3A_247, %scan3A_125 : i32
        %ne3A_249 = arith.cmpi ne, %add3A_131, %add3A_149 : i32
        %or3A_250 = arith.constant false
        %or3A_251 = arith.ori %or3A_250, %ne3A_249 : i1
        %or3A_252 = arith.ori %or3A_251, %eq3A_130 : i1
        %add3A_253 = arith.constant 1 : i32
        %add3A_254 = arith.addi %scan3A_123, %add3A_253 : i32
        %select_n3A_255 = arith.select %or3A_252, %add3A_254, %scan3A_123 : i32
        %add3A_256 = arith.constant 1 : i32
        %add3A_257 = arith.addi %scan3A_126, %add3A_256 : i32
        %select_n3A_258 = arith.constant true
        %select_n3A_259 = arith.select %select_n3A_258, %add3A_257, %scan3A_126 : i32
        %eq3A_260 = arith.constant 20 : i32
        %eq3A_261 = arith.cmpi eq, %select_n3A_259, %eq3A_260 : i32
        %select_n3A_262 = arith.constant 0 : i32
        %select_n3A_263 = arith.select %eq3A_261, %select_n3A_262, %select_n3A_259 : i32
        scf.yield %select_n3A_167, %select_n3A_255, %select_n3A_221, %select_n3A_248, %select_n3A_263 : i32, i32, i32, i32, i32
      }
      %scan3A_68 = arith.constant 20 : i32
      %sub3A = arith.constant 1 : i32
      %sub3A_69 = arith.subi %scan3A_67#4, %sub3A : i32
      %select_n3A_70 = arith.constant true
      %select_n3A_71 = arith.select %select_n3A_70, %sub3A_69, %scan3A_67#4 : i32
      %eq3A_72 = arith.constant -1 : i32
      %eq3A_73 = arith.cmpi eq, %select_n3A_71, %eq3A_72 : i32
      %select_n3A_74 = arith.constant 19 : i32
      %select_n3A_75 = arith.select %eq3A_73, %select_n3A_74, %select_n3A_71 : i32
      %add3A_76 = arith.addi %select_n3A_75, %mul3A_6 : i32
      %sub3A_77 = arith.constant 1 : i32
      %sub3A_78 = arith.subi %select_n3A_75, %sub3A_77 : i32
      %select_n3A_79 = arith.constant true
      %select_n3A_80 = arith.select %select_n3A_79, %sub3A_78, %select_n3A_75 : i32
      %eq3A_81 = arith.constant -1 : i32
      %eq3A_82 = arith.cmpi eq, %select_n3A_80, %eq3A_81 : i32
      %select_n3A_83 = arith.constant 19 : i32
      %select_n3A_84 = arith.select %eq3A_82, %select_n3A_83, %select_n3A_80 : i32
      %add3A_85 = arith.addi %select_n3A_84, %mul3A_6 : i32
      %add3A_86 = arith.constant 1 : i32
      %add3A_87 = arith.addi %select_n3A_75, %add3A_86 : i32
      %select_n3A_88 = arith.constant true
      %select_n3A_89 = arith.select %select_n3A_88, %add3A_87, %select_n3A_75 : i32
      %eq3A_90 = arith.constant 20 : i32
      %eq3A_91 = arith.cmpi eq, %select_n3A_89, %eq3A_90 : i32
      %select_n3A_92 = arith.constant 0 : i32
      %select_n3A_93 = arith.select %eq3A_91, %select_n3A_92, %select_n3A_89 : i32
      %add3A_94 = arith.addi %select_n3A_93, %mul3A_6 : i32
      %add3A_95 = arith.constant 1 : i32
      %add3A_96 = arith.addi %select_n3A_93, %add3A_95 : i32
      %select_n3A_97 = arith.constant true
      %select_n3A_98 = arith.select %select_n3A_97, %add3A_96, %select_n3A_93 : i32
      %eq3A_99 = arith.constant 20 : i32
      %eq3A_100 = arith.cmpi eq, %select_n3A_98, %eq3A_99 : i32
      %select_n3A_101 = arith.constant 0 : i32
      %select_n3A_102 = arith.select %eq3A_100, %select_n3A_101, %select_n3A_98 : i32
      %add3A_103 = arith.addi %select_n3A_102, %mul3A_6 : i32
      "tpu.trace_start"() <{level = 10 : i32, message = "ep_finalize"}> : () -> ()
      %rem3A_104 = arith.constant 2 : i32
      %rem3A_105 = arith.remui %scan3A_67#3, %rem3A_104 : i32
      %mul3A_106 = arith.constant 128 : i32
      %mul3A_107 = arith.muli %mul3A_106, %add3A_76 : i32
      %dma_wait3A = arith.constant 0 : i32
      %dma_wait3A_108 = arith.constant 0 : i32
      %dma_wait3A_109 = tpu.memref_slice %run_scoped3A_8[%rem3A_105, %dma_wait3A, %dma_wait3A_108] : memref<2x128x128xf32, #tpu.memory_space<vmem>> -> memref<1x128x128xf32, #tpu.memory_space<vmem>>
      %dma_wait3A_110 = tpu.memref_squeeze %dma_wait3A_109 : memref<1x128x128xf32, #tpu.memory_space<vmem>> -> memref<128x128xf32, #tpu.memory_space<vmem>>
      %dma_wait3A_111 = arith.constant 0 : i32
      %dma_wait3A_112 = tpu.memref_slice %arg4[%mul3A_107, %dma_wait3A_111] : memref<81920x128xf32, #tpu.memory_space<hbm>> -> memref<128x128xf32, #tpu.memory_space<hbm>>
      %dma_wait3A_113 = tpu.memref_slice %run_scoped3A_9[%rem3A_105] : memref<2x!tpu.dma_semaphore, #tpu.memory_space<semaphore_mem>> -> memref<1x!tpu.dma_semaphore, #tpu.memory_space<semaphore_mem>>
      %dma_wait3A_114 = tpu.memref_squeeze %dma_wait3A_113 : memref<1x!tpu.dma_semaphore, #tpu.memory_space<semaphore_mem>> -> memref<!tpu.dma_semaphore, #tpu.memory_space<semaphore_mem>>
      %dma_wait3A_115 = arith.constant 0 : i32
      %dma_wait3A_116 = tpu.memref_slice %arg4[%mul3A_107, %dma_wait3A_115] : memref<81920x128xf32, #tpu.memory_space<hbm>> -> memref<128x128xf32, #tpu.memory_space<hbm>>
      %dma_wait3A_117 = arith.constant 0 : i32
      %dma_wait3A_118 = arith.constant 0 : i32
      %dma_wait3A_119 = tpu.memref_slice %run_scoped3A_8[%rem3A_105, %dma_wait3A_117, %dma_wait3A_118] : memref<2x128x128xf32, #tpu.memory_space<vmem>> -> memref<1x128x128xf32, #tpu.memory_space<vmem>>
      %dma_wait3A_120 = tpu.memref_squeeze %dma_wait3A_119 : memref<1x128x128xf32, #tpu.memory_space<vmem>> -> memref<128x128xf32, #tpu.memory_space<vmem>>
      tpu.wait_dma2 semaphore(%dma_wait3A_114 : memref<!tpu.dma_semaphore, #tpu.memory_space<semaphore_mem>>) src(%dma_wait3A_120 : memref<128x128xf32, #tpu.memory_space<vmem>>) dst(%dma_wait3A_116 : memref<128x128xf32, #tpu.memory_space<hbm>>)
      "tpu.trace_stop"() : () -> ()
      tpu.yield
    }) : () -> ()
    return
  }
}

module attributes {stable_mosaic.version = 14 : i64} {
  func.func @_stage1_body(%arg0: i32, %arg1: i32, %arg2: memref<256x16xbf16, #tpu.memory_space<vmem>>, %arg3: memref<16x7168xbf16, #tpu.memory_space<vmem>>, %arg4: memref<256x56x128xf32, #tpu.memory_space<vmem>>, %arg5: memref<256x20xi32, #tpu.memory_space<vmem>>, %arg6: memref<14x256x56xf32, #tpu.memory_space<vmem>>) attributes {dimension_semantics = [#tpu.dimension_semantics<parallel>, #tpu.dimension_semantics<arbitrary>], iteration_bounds = array<i64: 16, 14>, scalar_prefetch = 0 : i64, scratch_operands = 1 : i64, tpu.core_type = #tpu.core_type<tc>, window_params = [{transform_indices = @transform_0, window_bounds = array<i64: 256, 16>}, {transform_indices = @transform_1, window_bounds = array<i64: 16, 7168>}, {transform_indices = @transform_2, window_bounds = array<i64: 256, 56, 128>}, {transform_indices = @transform_3, window_bounds = array<i64: 256, 20>}]} {
    %get3A = arith.constant 0 : index
    %get3A_0 = arith.constant 0 : index
    %get3A_1 = vector.load %arg2[%get3A, %get3A_0] : memref<256x16xbf16, #tpu.memory_space<vmem>>, vector<256x16xbf16>
    %get3A_2 = arith.constant 0 : index
    %get3A_3 = arith.constant 0 : index
    %get3A_4 = vector.load %arg3[%get3A_2, %get3A_3] : memref<16x7168xbf16, #tpu.memory_space<vmem>>, vector<16x7168xbf16>
    %dot_general3A = arith.constant dense<0.000000e+00> : vector<256x7168xf32>
    %dot_general3A_5 = tpu.matmul %get3A_1, %get3A_4, %dot_general3A {dimension_numbers = #tpu.dot_dimension_numbers<[1], [0], [0], [1], [0, 0, 1, 1], [], []>, transpose_lhs_hint = false} : vector<256x16xbf16>, vector<16x7168xbf16>, vector<256x7168xf32> -> vector<256x7168xf32>
    %eq3A = arith.constant 13 : i32
    %eq3A_6 = arith.cmpi eq, %arg1, %eq3A : i32
    %convert_element_type3A = arith.extui %eq3A_6 : i1 to i32
    %cond3A = arith.constant 0 : i32
    %cond3A_7 = arith.cmpi ne, %convert_element_type3A, %cond3A : i32
    scf.if %cond3A_7 {
      %iota3A = tpu.iota {dimensions = array<i32: 1>} : vector<256x7168xi32>
      %mul3A = arith.constant 7168 : i32
      %mul3A_17 = arith.muli %arg1, %mul3A : i32
      %add3A = vector.broadcast %mul3A_17 : i32 to vector<256x7168xi32>
      %add3A_18 = arith.addi %iota3A, %add3A : vector<256x7168xi32>
      %lt3A_19 = arith.constant 100000 : i32
      %lt3A_20 = vector.broadcast %lt3A_19 : i32 to vector<256x7168xi32>
      %lt3A_21 = arith.cmpi slt, %add3A_18, %lt3A_20 : vector<256x7168xi32>
      %jit3A = arith.constant -3.000000e+38 : f32
      %broadcast_in_dim3A = vector.broadcast %jit3A : f32 to vector<256x7168xf32>
      %select_n3A = arith.select %lt3A_21, %dot_general3A_5, %broadcast_in_dim3A : vector<256x7168xi1>, vector<256x7168xf32>
      %reshape3A = vector.shape_cast %select_n3A : vector<256x7168xf32> to vector<256x56x128xf32>
      %swap3A = arith.constant 0 : index
      %swap3A_22 = arith.constant 0 : index
      %swap3A_23 = arith.constant 0 : index
      %swap3A_24 = vector.load %arg4[%swap3A, %swap3A_22, %swap3A_23] : memref<256x56x128xf32, #tpu.memory_space<vmem>>, vector<256x56x128xf32>
      tpu.vector_store %arg4[%swap3A, %swap3A_22, %swap3A_23], %reshape3A {strides = array<i32>} : memref<256x56x128xf32, #tpu.memory_space<vmem>>, vector<256x56x128xf32>,
      %reduce_max3A = arith.constant dense<0xFF800000> : vector<256x56xf32>
      %reduce_max3A_25 = vector.multi_reduction <maximumf>, %reshape3A, %reduce_max3A [2] : vector<256x56x128xf32> to vector<256x56xf32>
      %swap3A_26 = arith.index_cast %arg1 : i32 to index
      %swap3A_27 = arith.constant 0 : index
      %swap3A_28 = arith.constant 0 : index
      %swap3A_29 = vector.load %arg6[%swap3A_26, %swap3A_27, %swap3A_28] : memref<14x256x56xf32, #tpu.memory_space<vmem>>, vector<1x256x56xf32>
      %swap3A_30 = vector.shape_cast %swap3A_29 : vector<1x256x56xf32> to vector<256x56xf32>
      %swap3A_31 = vector.shape_cast %reduce_max3A_25 : vector<256x56xf32> to vector<1x256x56xf32>
      tpu.vector_store %arg6[%swap3A_26, %swap3A_27, %swap3A_28], %swap3A_31 {strides = array<i32>} : memref<14x256x56xf32, #tpu.memory_space<vmem>>, vector<1x256x56xf32>,
    } else {
    }
    %lt3A = arith.constant 13 : i32
    %lt3A_8 = arith.cmpi slt, %arg1, %lt3A : i32
    %convert_element_type3A_9 = arith.extui %lt3A_8 : i1 to i32
    %cond3A_10 = arith.constant 0 : i32
    %cond3A_11 = arith.cmpi ne, %convert_element_type3A_9, %cond3A_10 : i32
    scf.if %cond3A_11 {
      %reshape3A = vector.shape_cast %dot_general3A_5 : vector<256x7168xf32> to vector<256x56x128xf32>
      %swap3A = arith.constant 0 : index
      %swap3A_17 = arith.constant 0 : index
      %swap3A_18 = arith.constant 0 : index
      %swap3A_19 = vector.load %arg4[%swap3A, %swap3A_17, %swap3A_18] : memref<256x56x128xf32, #tpu.memory_space<vmem>>, vector<256x56x128xf32>
      tpu.vector_store %arg4[%swap3A, %swap3A_17, %swap3A_18], %reshape3A {strides = array<i32>} : memref<256x56x128xf32, #tpu.memory_space<vmem>>, vector<256x56x128xf32>,
      %reduce_max3A = arith.constant dense<0xFF800000> : vector<256x56xf32>
      %reduce_max3A_20 = vector.multi_reduction <maximumf>, %reshape3A, %reduce_max3A [2] : vector<256x56x128xf32> to vector<256x56xf32>
      %swap3A_21 = arith.index_cast %arg1 : i32 to index
      %swap3A_22 = arith.constant 0 : index
      %swap3A_23 = arith.constant 0 : index
      %swap3A_24 = vector.load %arg6[%swap3A_21, %swap3A_22, %swap3A_23] : memref<14x256x56xf32, #tpu.memory_space<vmem>>, vector<1x256x56xf32>
      %swap3A_25 = vector.shape_cast %swap3A_24 : vector<1x256x56xf32> to vector<256x56xf32>
      %swap3A_26 = vector.shape_cast %reduce_max3A_20 : vector<256x56xf32> to vector<1x256x56xf32>
      tpu.vector_store %arg6[%swap3A_21, %swap3A_22, %swap3A_23], %swap3A_26 {strides = array<i32>} : memref<14x256x56xf32, #tpu.memory_space<vmem>>, vector<1x256x56xf32>,
    } else {
    }
    %eq3A_12 = arith.constant 13 : i32
    %eq3A_13 = arith.cmpi eq, %arg1, %eq3A_12 : i32
    %convert_element_type3A_14 = arith.extui %eq3A_13 : i1 to i32
    %cond3A_15 = arith.constant 0 : i32
    %cond3A_16 = arith.cmpi ne, %convert_element_type3A_14, %cond3A_15 : i32
    scf.if %cond3A_16 {
      %get3A_17 = arith.constant 0 : index
      %get3A_18 = arith.constant 0 : index
      %get3A_19 = arith.constant 0 : index
      %get3A_20 = vector.load %arg6[%get3A_17, %get3A_18, %get3A_19] : memref<14x256x56xf32, #tpu.memory_space<vmem>>, vector<14x256x56xf32>
      %transpose3A = tpu.transpose %get3A_20, [1, 0, 2] : vector<14x256x56xf32> -> vector<256x14x56xf32>
      %reshape3A = vector.shape_cast %transpose3A : vector<256x14x56xf32> to vector<256x784xf32>
      %iota3A = tpu.iota {dimensions = array<i32: 1>} : vector<256x784xi32>
      %reduce_max3A = arith.constant dense<0xFF800000> : vector<256xf32>
      %reduce_max3A_21 = vector.multi_reduction <maximumf>, %reshape3A, %reduce_max3A [1] : vector<256x784xf32> to vector<256xf32>
      %broadcast_in_dim3A = vector.shape_cast %reduce_max3A_21 : vector<256xf32> to vector<256x1xf32>
      %eq3A_22 = vector.broadcast %broadcast_in_dim3A : vector<256x1xf32> to vector<256x784xf32>
      %eq3A_23 = arith.cmpf oeq, %reshape3A, %eq3A_22 : vector<256x784xf32>
      %jit3A = arith.constant 1073741824 : i32
      %broadcast_in_dim3A_24 = vector.broadcast %jit3A : i32 to vector<256x784xi32>
      %select_n3A = arith.select %eq3A_23, %iota3A, %broadcast_in_dim3A_24 : vector<256x784xi1>, vector<256x784xi32>
      %reduce_min3A = arith.constant dense<2147483647> : vector<256xi32>
      %reduce_min3A_25 = vector.multi_reduction <minsi>, %select_n3A, %reduce_min3A [1] : vector<256x784xi32> to vector<256xi32>
      %broadcast_in_dim3A_26 = vector.shape_cast %reduce_min3A_25 : vector<256xi32> to vector<256x1xi32>
      %eq3A_27 = vector.broadcast %broadcast_in_dim3A_26 : vector<256x1xi32> to vector<256x784xi32>
      %eq3A_28 = arith.cmpi eq, %iota3A, %eq3A_27 : vector<256x784xi32>
      %jit3A_29 = arith.constant -3.000000e+38 : f32
      %broadcast_in_dim3A_30 = vector.broadcast %jit3A_29 : f32 to vector<256x784xf32>
      %select_n3A_31 = arith.select %eq3A_28, %broadcast_in_dim3A_30, %reshape3A : vector<256x784xi1>, vector<256x784xf32>
      %reduce_max3A_32 = arith.constant dense<0xFF800000> : vector<256xf32>
      %reduce_max3A_33 = vector.multi_reduction <maximumf>, %select_n3A_31, %reduce_max3A_32 [1] : vector<256x784xf32> to vector<256xf32>
      %broadcast_in_dim3A_34 = vector.shape_cast %reduce_max3A_33 : vector<256xf32> to vector<256x1xf32>
      %eq3A_35 = vector.broadcast %broadcast_in_dim3A_34 : vector<256x1xf32> to vector<256x784xf32>
      %eq3A_36 = arith.cmpf oeq, %select_n3A_31, %eq3A_35 : vector<256x784xf32>
      %jit3A_37 = arith.constant 1073741824 : i32
      %broadcast_in_dim3A_38 = vector.broadcast %jit3A_37 : i32 to vector<256x784xi32>
      %select_n3A_39 = arith.select %eq3A_36, %iota3A, %broadcast_in_dim3A_38 : vector<256x784xi1>, vector<256x784xi32>
      %reduce_min3A_40 = arith.constant dense<2147483647> : vector<256xi32>
      %reduce_min3A_41 = vector.multi_reduction <minsi>, %select_n3A_39, %reduce_min3A_40 [1] : vector<256x784xi32> to vector<256xi32>
      %broadcast_in_dim3A_42 = vector.shape_cast %reduce_min3A_41 : vector<256xi32> to vector<256x1xi32>
      %eq3A_43 = vector.broadcast %broadcast_in_dim3A_42 : vector<256x1xi32> to vector<256x784xi32>
      %eq3A_44 = arith.cmpi eq, %iota3A, %eq3A_43 : vector<256x784xi32>
      %jit3A_45 = arith.constant -3.000000e+38 : f32
      %broadcast_in_dim3A_46 = vector.broadcast %jit3A_45 : f32 to vector<256x784xf32>
      %select_n3A_47 = arith.select %eq3A_44, %broadcast_in_dim3A_46, %select_n3A_31 : vector<256x784xi1>, vector<256x784xf32>
      %reduce_max3A_48 = arith.constant dense<0xFF800000> : vector<256xf32>
      %reduce_max3A_49 = vector.multi_reduction <maximumf>, %select_n3A_47, %reduce_max3A_48 [1] : vector<256x784xf32> to vector<256xf32>
      %broadcast_in_dim3A_50 = vector.shape_cast %reduce_max3A_49 : vector<256xf32> to vector<256x1xf32>
      %eq3A_51 = vector.broadcast %broadcast_in_dim3A_50 : vector<256x1xf32> to vector<256x784xf32>
      %eq3A_52 = arith.cmpf oeq, %select_n3A_47, %eq3A_51 : vector<256x784xf32>
      %jit3A_53 = arith.constant 1073741824 : i32
      %broadcast_in_dim3A_54 = vector.broadcast %jit3A_53 : i32 to vector<256x784xi32>
      %select_n3A_55 = arith.select %eq3A_52, %iota3A, %broadcast_in_dim3A_54 : vector<256x784xi1>, vector<256x784xi32>
      %reduce_min3A_56 = arith.constant dense<2147483647> : vector<256xi32>
      %reduce_min3A_57 = vector.multi_reduction <minsi>, %select_n3A_55, %reduce_min3A_56 [1] : vector<256x784xi32> to vector<256xi32>
      %broadcast_in_dim3A_58 = vector.shape_cast %reduce_min3A_57 : vector<256xi32> to vector<256x1xi32>
      %eq3A_59 = vector.broadcast %broadcast_in_dim3A_58 : vector<256x1xi32> to vector<256x784xi32>
      %eq3A_60 = arith.cmpi eq, %iota3A, %eq3A_59 : vector<256x784xi32>
      %jit3A_61 = arith.constant -3.000000e+38 : f32
      %broadcast_in_dim3A_62 = vector.broadcast %jit3A_61 : f32 to vector<256x784xf32>
      %select_n3A_63 = arith.select %eq3A_60, %broadcast_in_dim3A_62, %select_n3A_47 : vector<256x784xi1>, vector<256x784xf32>
      %reduce_max3A_64 = arith.constant dense<0xFF800000> : vector<256xf32>
      %reduce_max3A_65 = vector.multi_reduction <maximumf>, %select_n3A_63, %reduce_max3A_64 [1] : vector<256x784xf32> to vector<256xf32>
      %broadcast_in_dim3A_66 = vector.shape_cast %reduce_max3A_65 : vector<256xf32> to vector<256x1xf32>
      %eq3A_67 = vector.broadcast %broadcast_in_dim3A_66 : vector<256x1xf32> to vector<256x784xf32>
      %eq3A_68 = arith.cmpf oeq, %select_n3A_63, %eq3A_67 : vector<256x784xf32>
      %jit3A_69 = arith.constant 1073741824 : i32
      %broadcast_in_dim3A_70 = vector.broadcast %jit3A_69 : i32 to vector<256x784xi32>
      %select_n3A_71 = arith.select %eq3A_68, %iota3A, %broadcast_in_dim3A_70 : vector<256x784xi1>, vector<256x784xi32>
      %reduce_min3A_72 = arith.constant dense<2147483647> : vector<256xi32>
      %reduce_min3A_73 = vector.multi_reduction <minsi>, %select_n3A_71, %reduce_min3A_72 [1] : vector<256x784xi32> to vector<256xi32>
      %broadcast_in_dim3A_74 = vector.shape_cast %reduce_min3A_73 : vector<256xi32> to vector<256x1xi32>
      %eq3A_75 = vector.broadcast %broadcast_in_dim3A_74 : vector<256x1xi32> to vector<256x784xi32>
      %eq3A_76 = arith.cmpi eq, %iota3A, %eq3A_75 : vector<256x784xi32>
      %jit3A_77 = arith.constant -3.000000e+38 : f32
      %broadcast_in_dim3A_78 = vector.broadcast %jit3A_77 : f32 to vector<256x784xf32>
      %select_n3A_79 = arith.select %eq3A_76, %broadcast_in_dim3A_78, %select_n3A_63 : vector<256x784xi1>, vector<256x784xf32>
      %reduce_max3A_80 = arith.constant dense<0xFF800000> : vector<256xf32>
      %reduce_max3A_81 = vector.multi_reduction <maximumf>, %select_n3A_79, %reduce_max3A_80 [1] : vector<256x784xf32> to vector<256xf32>
      %broadcast_in_dim3A_82 = vector.shape_cast %reduce_max3A_81 : vector<256xf32> to vector<256x1xf32>
      %eq3A_83 = vector.broadcast %broadcast_in_dim3A_82 : vector<256x1xf32> to vector<256x784xf32>
      %eq3A_84 = arith.cmpf oeq, %select_n3A_79, %eq3A_83 : vector<256x784xf32>
      %jit3A_85 = arith.constant 1073741824 : i32
      %broadcast_in_dim3A_86 = vector.broadcast %jit3A_85 : i32 to vector<256x784xi32>
      %select_n3A_87 = arith.select %eq3A_84, %iota3A, %broadcast_in_dim3A_86 : vector<256x784xi1>, vector<256x784xi32>
      %reduce_min3A_88 = arith.constant dense<2147483647> : vector<256xi32>
      %reduce_min3A_89 = vector.multi_reduction <minsi>, %select_n3A_87, %reduce_min3A_88 [1] : vector<256x784xi32> to vector<256xi32>
      %broadcast_in_dim3A_90 = vector.shape_cast %reduce_min3A_89 : vector<256xi32> to vector<256x1xi32>
      %eq3A_91 = vector.broadcast %broadcast_in_dim3A_90 : vector<256x1xi32> to vector<256x784xi32>
      %eq3A_92 = arith.cmpi eq, %iota3A, %eq3A_91 : vector<256x784xi32>
      %jit3A_93 = arith.constant -3.000000e+38 : f32
      %broadcast_in_dim3A_94 = vector.broadcast %jit3A_93 : f32 to vector<256x784xf32>
      %select_n3A_95 = arith.select %eq3A_92, %broadcast_in_dim3A_94, %select_n3A_79 : vector<256x784xi1>, vector<256x784xf32>
      %reduce_max3A_96 = arith.constant dense<0xFF800000> : vector<256xf32>
      %reduce_max3A_97 = vector.multi_reduction <maximumf>, %select_n3A_95, %reduce_max3A_96 [1] : vector<256x784xf32> to vector<256xf32>
      %broadcast_in_dim3A_98 = vector.shape_cast %reduce_max3A_97 : vector<256xf32> to vector<256x1xf32>
      %eq3A_99 = vector.broadcast %broadcast_in_dim3A_98 : vector<256x1xf32> to vector<256x784xf32>
      %eq3A_100 = arith.cmpf oeq, %select_n3A_95, %eq3A_99 : vector<256x784xf32>
      %jit3A_101 = arith.constant 1073741824 : i32
      %broadcast_in_dim3A_102 = vector.broadcast %jit3A_101 : i32 to vector<256x784xi32>
      %select_n3A_103 = arith.select %eq3A_100, %iota3A, %broadcast_in_dim3A_102 : vector<256x784xi1>, vector<256x784xi32>
      %reduce_min3A_104 = arith.constant dense<2147483647> : vector<256xi32>
      %reduce_min3A_105 = vector.multi_reduction <minsi>, %select_n3A_103, %reduce_min3A_104 [1] : vector<256x784xi32> to vector<256xi32>
      %broadcast_in_dim3A_106 = vector.shape_cast %reduce_min3A_105 : vector<256xi32> to vector<256x1xi32>
      %eq3A_107 = vector.broadcast %broadcast_in_dim3A_106 : vector<256x1xi32> to vector<256x784xi32>
      %eq3A_108 = arith.cmpi eq, %iota3A, %eq3A_107 : vector<256x784xi32>
      %jit3A_109 = arith.constant -3.000000e+38 : f32
      %broadcast_in_dim3A_110 = vector.broadcast %jit3A_109 : f32 to vector<256x784xf32>
      %select_n3A_111 = arith.select %eq3A_108, %broadcast_in_dim3A_110, %select_n3A_95 : vector<256x784xi1>, vector<256x784xf32>
      %reduce_max3A_112 = arith.constant dense<0xFF800000> : vector<256xf32>
      %reduce_max3A_113 = vector.multi_reduction <maximumf>, %select_n3A_111, %reduce_max3A_112 [1] : vector<256x784xf32> to vector<256xf32>
      %broadcast_in_dim3A_114 = vector.shape_cast %reduce_max3A_113 : vector<256xf32> to vector<256x1xf32>
      %eq3A_115 = vector.broadcast %broadcast_in_dim3A_114 : vector<256x1xf32> to vector<256x784xf32>
      %eq3A_116 = arith.cmpf oeq, %select_n3A_111, %eq3A_115 : vector<256x784xf32>
      %jit3A_117 = arith.constant 1073741824 : i32
      %broadcast_in_dim3A_118 = vector.broadcast %jit3A_117 : i32 to vector<256x784xi32>
      %select_n3A_119 = arith.select %eq3A_116, %iota3A, %broadcast_in_dim3A_118 : vector<256x784xi1>, vector<256x784xi32>
      %reduce_min3A_120 = arith.constant dense<2147483647> : vector<256xi32>
      %reduce_min3A_121 = vector.multi_reduction <minsi>, %select_n3A_119, %reduce_min3A_120 [1] : vector<256x784xi32> to vector<256xi32>
      %broadcast_in_dim3A_122 = vector.shape_cast %reduce_min3A_121 : vector<256xi32> to vector<256x1xi32>
      %eq3A_123 = vector.broadcast %broadcast_in_dim3A_122 : vector<256x1xi32> to vector<256x784xi32>
      %eq3A_124 = arith.cmpi eq, %iota3A, %eq3A_123 : vector<256x784xi32>
      %jit3A_125 = arith.constant -3.000000e+38 : f32
      %broadcast_in_dim3A_126 = vector.broadcast %jit3A_125 : f32 to vector<256x784xf32>
      %select_n3A_127 = arith.select %eq3A_124, %broadcast_in_dim3A_126, %select_n3A_111 : vector<256x784xi1>, vector<256x784xf32>
      %reduce_max3A_128 = arith.constant dense<0xFF800000> : vector<256xf32>
      %reduce_max3A_129 = vector.multi_reduction <maximumf>, %select_n3A_127, %reduce_max3A_128 [1] : vector<256x784xf32> to vector<256xf32>
      %broadcast_in_dim3A_130 = vector.shape_cast %reduce_max3A_129 : vector<256xf32> to vector<256x1xf32>
      %eq3A_131 = vector.broadcast %broadcast_in_dim3A_130 : vector<256x1xf32> to vector<256x784xf32>
      %eq3A_132 = arith.cmpf oeq, %select_n3A_127, %eq3A_131 : vector<256x784xf32>
      %jit3A_133 = arith.constant 1073741824 : i32
      %broadcast_in_dim3A_134 = vector.broadcast %jit3A_133 : i32 to vector<256x784xi32>
      %select_n3A_135 = arith.select %eq3A_132, %iota3A, %broadcast_in_dim3A_134 : vector<256x784xi1>, vector<256x784xi32>
      %reduce_min3A_136 = arith.constant dense<2147483647> : vector<256xi32>
      %reduce_min3A_137 = vector.multi_reduction <minsi>, %select_n3A_135, %reduce_min3A_136 [1] : vector<256x784xi32> to vector<256xi32>
      %broadcast_in_dim3A_138 = vector.shape_cast %reduce_min3A_137 : vector<256xi32> to vector<256x1xi32>
      %eq3A_139 = vector.broadcast %broadcast_in_dim3A_138 : vector<256x1xi32> to vector<256x784xi32>
      %eq3A_140 = arith.cmpi eq, %iota3A, %eq3A_139 : vector<256x784xi32>
      %jit3A_141 = arith.constant -3.000000e+38 : f32
      %broadcast_in_dim3A_142 = vector.broadcast %jit3A_141 : f32 to vector<256x784xf32>
      %select_n3A_143 = arith.select %eq3A_140, %broadcast_in_dim3A_142, %select_n3A_127 : vector<256x784xi1>, vector<256x784xf32>
      %reduce_max3A_144 = arith.constant dense<0xFF800000> : vector<256xf32>
      %reduce_max3A_145 = vector.multi_reduction <maximumf>, %select_n3A_143, %reduce_max3A_144 [1] : vector<256x784xf32> to vector<256xf32>
      %broadcast_in_dim3A_146 = vector.shape_cast %reduce_max3A_145 : vector<256xf32> to vector<256x1xf32>
      %eq3A_147 = vector.broadcast %broadcast_in_dim3A_146 : vector<256x1xf32> to vector<256x784xf32>
      %eq3A_148 = arith.cmpf oeq, %select_n3A_143, %eq3A_147 : vector<256x784xf32>
      %jit3A_149 = arith.constant 1073741824 : i32
      %broadcast_in_dim3A_150 = vector.broadcast %jit3A_149 : i32 to vector<256x784xi32>
      %select_n3A_151 = arith.select %eq3A_148, %iota3A, %broadcast_in_dim3A_150 : vector<256x784xi1>, vector<256x784xi32>
      %reduce_min3A_152 = arith.constant dense<2147483647> : vector<256xi32>
      %reduce_min3A_153 = vector.multi_reduction <minsi>, %select_n3A_151, %reduce_min3A_152 [1] : vector<256x784xi32> to vector<256xi32>
      %broadcast_in_dim3A_154 = vector.shape_cast %reduce_min3A_153 : vector<256xi32> to vector<256x1xi32>
      %eq3A_155 = vector.broadcast %broadcast_in_dim3A_154 : vector<256x1xi32> to vector<256x784xi32>
      %eq3A_156 = arith.cmpi eq, %iota3A, %eq3A_155 : vector<256x784xi32>
      %jit3A_157 = arith.constant -3.000000e+38 : f32
      %broadcast_in_dim3A_158 = vector.broadcast %jit3A_157 : f32 to vector<256x784xf32>
      %select_n3A_159 = arith.select %eq3A_156, %broadcast_in_dim3A_158, %select_n3A_143 : vector<256x784xi1>, vector<256x784xf32>
      %reduce_max3A_160 = arith.constant dense<0xFF800000> : vector<256xf32>
      %reduce_max3A_161 = vector.multi_reduction <maximumf>, %select_n3A_159, %reduce_max3A_160 [1] : vector<256x784xf32> to vector<256xf32>
      %broadcast_in_dim3A_162 = vector.shape_cast %reduce_max3A_161 : vector<256xf32> to vector<256x1xf32>
      %eq3A_163 = vector.broadcast %broadcast_in_dim3A_162 : vector<256x1xf32> to vector<256x784xf32>
      %eq3A_164 = arith.cmpf oeq, %select_n3A_159, %eq3A_163 : vector<256x784xf32>
      %jit3A_165 = arith.constant 1073741824 : i32
      %broadcast_in_dim3A_166 = vector.broadcast %jit3A_165 : i32 to vector<256x784xi32>
      %select_n3A_167 = arith.select %eq3A_164, %iota3A, %broadcast_in_dim3A_166 : vector<256x784xi1>, vector<256x784xi32>
      %reduce_min3A_168 = arith.constant dense<2147483647> : vector<256xi32>
      %reduce_min3A_169 = vector.multi_reduction <minsi>, %select_n3A_167, %reduce_min3A_168 [1] : vector<256x784xi32> to vector<256xi32>
      %broadcast_in_dim3A_170 = vector.shape_cast %reduce_min3A_169 : vector<256xi32> to vector<256x1xi32>
      %eq3A_171 = vector.broadcast %broadcast_in_dim3A_170 : vector<256x1xi32> to vector<256x784xi32>
      %eq3A_172 = arith.cmpi eq, %iota3A, %eq3A_171 : vector<256x784xi32>
      %jit3A_173 = arith.constant -3.000000e+38 : f32
      %broadcast_in_dim3A_174 = vector.broadcast %jit3A_173 : f32 to vector<256x784xf32>
      %select_n3A_175 = arith.select %eq3A_172, %broadcast_in_dim3A_174, %select_n3A_159 : vector<256x784xi1>, vector<256x784xf32>
      %reduce_max3A_176 = arith.constant dense<0xFF800000> : vector<256xf32>
      %reduce_max3A_177 = vector.multi_reduction <maximumf>, %select_n3A_175, %reduce_max3A_176 [1] : vector<256x784xf32> to vector<256xf32>
      %broadcast_in_dim3A_178 = vector.shape_cast %reduce_max3A_177 : vector<256xf32> to vector<256x1xf32>
      %eq3A_179 = vector.broadcast %broadcast_in_dim3A_178 : vector<256x1xf32> to vector<256x784xf32>
      %eq3A_180 = arith.cmpf oeq, %select_n3A_175, %eq3A_179 : vector<256x784xf32>
      %jit3A_181 = arith.constant 1073741824 : i32
      %broadcast_in_dim3A_182 = vector.broadcast %jit3A_181 : i32 to vector<256x784xi32>
      %select_n3A_183 = arith.select %eq3A_180, %iota3A, %broadcast_in_dim3A_182 : vector<256x784xi1>, vector<256x784xi32>
      %reduce_min3A_184 = arith.constant dense<2147483647> : vector<256xi32>
      %reduce_min3A_185 = vector.multi_reduction <minsi>, %select_n3A_183, %reduce_min3A_184 [1] : vector<256x784xi32> to vector<256xi32>
      %broadcast_in_dim3A_186 = vector.shape_cast %reduce_min3A_185 : vector<256xi32> to vector<256x1xi32>
      %eq3A_187 = vector.broadcast %broadcast_in_dim3A_186 : vector<256x1xi32> to vector<256x784xi32>
      %eq3A_188 = arith.cmpi eq, %iota3A, %eq3A_187 : vector<256x784xi32>
      %jit3A_189 = arith.constant -3.000000e+38 : f32
      %broadcast_in_dim3A_190 = vector.broadcast %jit3A_189 : f32 to vector<256x784xf32>
      %select_n3A_191 = arith.select %eq3A_188, %broadcast_in_dim3A_190, %select_n3A_175 : vector<256x784xi1>, vector<256x784xf32>
      %reduce_max3A_192 = arith.constant dense<0xFF800000> : vector<256xf32>
      %reduce_max3A_193 = vector.multi_reduction <maximumf>, %select_n3A_191, %reduce_max3A_192 [1] : vector<256x784xf32> to vector<256xf32>
      %broadcast_in_dim3A_194 = vector.shape_cast %reduce_max3A_193 : vector<256xf32> to vector<256x1xf32>
      %eq3A_195 = vector.broadcast %broadcast_in_dim3A_194 : vector<256x1xf32> to vector<256x784xf32>
      %eq3A_196 = arith.cmpf oeq, %select_n3A_191, %eq3A_195 : vector<256x784xf32>
      %jit3A_197 = arith.constant 1073741824 : i32
      %broadcast_in_dim3A_198 = vector.broadcast %jit3A_197 : i32 to vector<256x784xi32>
      %select_n3A_199 = arith.select %eq3A_196, %iota3A, %broadcast_in_dim3A_198 : vector<256x784xi1>, vector<256x784xi32>
      %reduce_min3A_200 = arith.constant dense<2147483647> : vector<256xi32>
      %reduce_min3A_201 = vector.multi_reduction <minsi>, %select_n3A_199, %reduce_min3A_200 [1] : vector<256x784xi32> to vector<256xi32>
      %broadcast_in_dim3A_202 = vector.shape_cast %reduce_min3A_201 : vector<256xi32> to vector<256x1xi32>
      %eq3A_203 = vector.broadcast %broadcast_in_dim3A_202 : vector<256x1xi32> to vector<256x784xi32>
      %eq3A_204 = arith.cmpi eq, %iota3A, %eq3A_203 : vector<256x784xi32>
      %jit3A_205 = arith.constant -3.000000e+38 : f32
      %broadcast_in_dim3A_206 = vector.broadcast %jit3A_205 : f32 to vector<256x784xf32>
      %select_n3A_207 = arith.select %eq3A_204, %broadcast_in_dim3A_206, %select_n3A_191 : vector<256x784xi1>, vector<256x784xf32>
      %reduce_max3A_208 = arith.constant dense<0xFF800000> : vector<256xf32>
      %reduce_max3A_209 = vector.multi_reduction <maximumf>, %select_n3A_207, %reduce_max3A_208 [1] : vector<256x784xf32> to vector<256xf32>
      %broadcast_in_dim3A_210 = vector.shape_cast %reduce_max3A_209 : vector<256xf32> to vector<256x1xf32>
      %eq3A_211 = vector.broadcast %broadcast_in_dim3A_210 : vector<256x1xf32> to vector<256x784xf32>
      %eq3A_212 = arith.cmpf oeq, %select_n3A_207, %eq3A_211 : vector<256x784xf32>
      %jit3A_213 = arith.constant 1073741824 : i32
      %broadcast_in_dim3A_214 = vector.broadcast %jit3A_213 : i32 to vector<256x784xi32>
      %select_n3A_215 = arith.select %eq3A_212, %iota3A, %broadcast_in_dim3A_214 : vector<256x784xi1>, vector<256x784xi32>
      %reduce_min3A_216 = arith.constant dense<2147483647> : vector<256xi32>
      %reduce_min3A_217 = vector.multi_reduction <minsi>, %select_n3A_215, %reduce_min3A_216 [1] : vector<256x784xi32> to vector<256xi32>
      %broadcast_in_dim3A_218 = vector.shape_cast %reduce_min3A_217 : vector<256xi32> to vector<256x1xi32>
      %eq3A_219 = vector.broadcast %broadcast_in_dim3A_218 : vector<256x1xi32> to vector<256x784xi32>
      %eq3A_220 = arith.cmpi eq, %iota3A, %eq3A_219 : vector<256x784xi32>
      %jit3A_221 = arith.constant -3.000000e+38 : f32
      %broadcast_in_dim3A_222 = vector.broadcast %jit3A_221 : f32 to vector<256x784xf32>
      %select_n3A_223 = arith.select %eq3A_220, %broadcast_in_dim3A_222, %select_n3A_207 : vector<256x784xi1>, vector<256x784xf32>
      %reduce_max3A_224 = arith.constant dense<0xFF800000> : vector<256xf32>
      %reduce_max3A_225 = vector.multi_reduction <maximumf>, %select_n3A_223, %reduce_max3A_224 [1] : vector<256x784xf32> to vector<256xf32>
      %broadcast_in_dim3A_226 = vector.shape_cast %reduce_max3A_225 : vector<256xf32> to vector<256x1xf32>
      %eq3A_227 = vector.broadcast %broadcast_in_dim3A_226 : vector<256x1xf32> to vector<256x784xf32>
      %eq3A_228 = arith.cmpf oeq, %select_n3A_223, %eq3A_227 : vector<256x784xf32>
      %jit3A_229 = arith.constant 1073741824 : i32
      %broadcast_in_dim3A_230 = vector.broadcast %jit3A_229 : i32 to vector<256x784xi32>
      %select_n3A_231 = arith.select %eq3A_228, %iota3A, %broadcast_in_dim3A_230 : vector<256x784xi1>, vector<256x784xi32>
      %reduce_min3A_232 = arith.constant dense<2147483647> : vector<256xi32>
      %reduce_min3A_233 = vector.multi_reduction <minsi>, %select_n3A_231, %reduce_min3A_232 [1] : vector<256x784xi32> to vector<256xi32>
      %broadcast_in_dim3A_234 = vector.shape_cast %reduce_min3A_233 : vector<256xi32> to vector<256x1xi32>
      %eq3A_235 = vector.broadcast %broadcast_in_dim3A_234 : vector<256x1xi32> to vector<256x784xi32>
      %eq3A_236 = arith.cmpi eq, %iota3A, %eq3A_235 : vector<256x784xi32>
      %jit3A_237 = arith.constant -3.000000e+38 : f32
      %broadcast_in_dim3A_238 = vector.broadcast %jit3A_237 : f32 to vector<256x784xf32>
      %select_n3A_239 = arith.select %eq3A_236, %broadcast_in_dim3A_238, %select_n3A_223 : vector<256x784xi1>, vector<256x784xf32>
      %reduce_max3A_240 = arith.constant dense<0xFF800000> : vector<256xf32>
      %reduce_max3A_241 = vector.multi_reduction <maximumf>, %select_n3A_239, %reduce_max3A_240 [1] : vector<256x784xf32> to vector<256xf32>
      %broadcast_in_dim3A_242 = vector.shape_cast %reduce_max3A_241 : vector<256xf32> to vector<256x1xf32>
      %eq3A_243 = vector.broadcast %broadcast_in_dim3A_242 : vector<256x1xf32> to vector<256x784xf32>
      %eq3A_244 = arith.cmpf oeq, %select_n3A_239, %eq3A_243 : vector<256x784xf32>
      %jit3A_245 = arith.constant 1073741824 : i32
      %broadcast_in_dim3A_246 = vector.broadcast %jit3A_245 : i32 to vector<256x784xi32>
      %select_n3A_247 = arith.select %eq3A_244, %iota3A, %broadcast_in_dim3A_246 : vector<256x784xi1>, vector<256x784xi32>
      %reduce_min3A_248 = arith.constant dense<2147483647> : vector<256xi32>
      %reduce_min3A_249 = vector.multi_reduction <minsi>, %select_n3A_247, %reduce_min3A_248 [1] : vector<256x784xi32> to vector<256xi32>
      %broadcast_in_dim3A_250 = vector.shape_cast %reduce_min3A_249 : vector<256xi32> to vector<256x1xi32>
      %eq3A_251 = vector.broadcast %broadcast_in_dim3A_250 : vector<256x1xi32> to vector<256x784xi32>
      %eq3A_252 = arith.cmpi eq, %iota3A, %eq3A_251 : vector<256x784xi32>
      %jit3A_253 = arith.constant -3.000000e+38 : f32
      %broadcast_in_dim3A_254 = vector.broadcast %jit3A_253 : f32 to vector<256x784xf32>
      %select_n3A_255 = arith.select %eq3A_252, %broadcast_in_dim3A_254, %select_n3A_239 : vector<256x784xi1>, vector<256x784xf32>
      %reduce_max3A_256 = arith.constant dense<0xFF800000> : vector<256xf32>
      %reduce_max3A_257 = vector.multi_reduction <maximumf>, %select_n3A_255, %reduce_max3A_256 [1] : vector<256x784xf32> to vector<256xf32>
      %broadcast_in_dim3A_258 = vector.shape_cast %reduce_max3A_257 : vector<256xf32> to vector<256x1xf32>
      %eq3A_259 = vector.broadcast %broadcast_in_dim3A_258 : vector<256x1xf32> to vector<256x784xf32>
      %eq3A_260 = arith.cmpf oeq, %select_n3A_255, %eq3A_259 : vector<256x784xf32>
      %jit3A_261 = arith.constant 1073741824 : i32
      %broadcast_in_dim3A_262 = vector.broadcast %jit3A_261 : i32 to vector<256x784xi32>
      %select_n3A_263 = arith.select %eq3A_260, %iota3A, %broadcast_in_dim3A_262 : vector<256x784xi1>, vector<256x784xi32>
      %reduce_min3A_264 = arith.constant dense<2147483647> : vector<256xi32>
      %reduce_min3A_265 = vector.multi_reduction <minsi>, %select_n3A_263, %reduce_min3A_264 [1] : vector<256x784xi32> to vector<256xi32>
      %broadcast_in_dim3A_266 = vector.shape_cast %reduce_min3A_265 : vector<256xi32> to vector<256x1xi32>
      %eq3A_267 = vector.broadcast %broadcast_in_dim3A_266 : vector<256x1xi32> to vector<256x784xi32>
      %eq3A_268 = arith.cmpi eq, %iota3A, %eq3A_267 : vector<256x784xi32>
      %jit3A_269 = arith.constant -3.000000e+38 : f32
      %broadcast_in_dim3A_270 = vector.broadcast %jit3A_269 : f32 to vector<256x784xf32>
      %select_n3A_271 = arith.select %eq3A_268, %broadcast_in_dim3A_270, %select_n3A_255 : vector<256x784xi1>, vector<256x784xf32>
      %reduce_max3A_272 = arith.constant dense<0xFF800000> : vector<256xf32>
      %reduce_max3A_273 = vector.multi_reduction <maximumf>, %select_n3A_271, %reduce_max3A_272 [1] : vector<256x784xf32> to vector<256xf32>
      %broadcast_in_dim3A_274 = vector.shape_cast %reduce_max3A_273 : vector<256xf32> to vector<256x1xf32>
      %eq3A_275 = vector.broadcast %broadcast_in_dim3A_274 : vector<256x1xf32> to vector<256x784xf32>
      %eq3A_276 = arith.cmpf oeq, %select_n3A_271, %eq3A_275 : vector<256x784xf32>
      %jit3A_277 = arith.constant 1073741824 : i32
      %broadcast_in_dim3A_278 = vector.broadcast %jit3A_277 : i32 to vector<256x784xi32>
      %select_n3A_279 = arith.select %eq3A_276, %iota3A, %broadcast_in_dim3A_278 : vector<256x784xi1>, vector<256x784xi32>
      %reduce_min3A_280 = arith.constant dense<2147483647> : vector<256xi32>
      %reduce_min3A_281 = vector.multi_reduction <minsi>, %select_n3A_279, %reduce_min3A_280 [1] : vector<256x784xi32> to vector<256xi32>
      %broadcast_in_dim3A_282 = vector.shape_cast %reduce_min3A_281 : vector<256xi32> to vector<256x1xi32>
      %eq3A_283 = vector.broadcast %broadcast_in_dim3A_282 : vector<256x1xi32> to vector<256x784xi32>
      %eq3A_284 = arith.cmpi eq, %iota3A, %eq3A_283 : vector<256x784xi32>
      %jit3A_285 = arith.constant -3.000000e+38 : f32
      %broadcast_in_dim3A_286 = vector.broadcast %jit3A_285 : f32 to vector<256x784xf32>
      %select_n3A_287 = arith.select %eq3A_284, %broadcast_in_dim3A_286, %select_n3A_271 : vector<256x784xi1>, vector<256x784xf32>
      %reduce_max3A_288 = arith.constant dense<0xFF800000> : vector<256xf32>
      %reduce_max3A_289 = vector.multi_reduction <maximumf>, %select_n3A_287, %reduce_max3A_288 [1] : vector<256x784xf32> to vector<256xf32>
      %broadcast_in_dim3A_290 = vector.shape_cast %reduce_max3A_289 : vector<256xf32> to vector<256x1xf32>
      %eq3A_291 = vector.broadcast %broadcast_in_dim3A_290 : vector<256x1xf32> to vector<256x784xf32>
      %eq3A_292 = arith.cmpf oeq, %select_n3A_287, %eq3A_291 : vector<256x784xf32>
      %jit3A_293 = arith.constant 1073741824 : i32
      %broadcast_in_dim3A_294 = vector.broadcast %jit3A_293 : i32 to vector<256x784xi32>
      %select_n3A_295 = arith.select %eq3A_292, %iota3A, %broadcast_in_dim3A_294 : vector<256x784xi1>, vector<256x784xi32>
      %reduce_min3A_296 = arith.constant dense<2147483647> : vector<256xi32>
      %reduce_min3A_297 = vector.multi_reduction <minsi>, %select_n3A_295, %reduce_min3A_296 [1] : vector<256x784xi32> to vector<256xi32>
      %broadcast_in_dim3A_298 = vector.shape_cast %reduce_min3A_297 : vector<256xi32> to vector<256x1xi32>
      %eq3A_299 = vector.broadcast %broadcast_in_dim3A_298 : vector<256x1xi32> to vector<256x784xi32>
      %eq3A_300 = arith.cmpi eq, %iota3A, %eq3A_299 : vector<256x784xi32>
      %jit3A_301 = arith.constant -3.000000e+38 : f32
      %broadcast_in_dim3A_302 = vector.broadcast %jit3A_301 : f32 to vector<256x784xf32>
      %select_n3A_303 = arith.select %eq3A_300, %broadcast_in_dim3A_302, %select_n3A_287 : vector<256x784xi1>, vector<256x784xf32>
      %reduce_max3A_304 = arith.constant dense<0xFF800000> : vector<256xf32>
      %reduce_max3A_305 = vector.multi_reduction <maximumf>, %select_n3A_303, %reduce_max3A_304 [1] : vector<256x784xf32> to vector<256xf32>
      %broadcast_in_dim3A_306 = vector.shape_cast %reduce_max3A_305 : vector<256xf32> to vector<256x1xf32>
      %eq3A_307 = vector.broadcast %broadcast_in_dim3A_306 : vector<256x1xf32> to vector<256x784xf32>
      %eq3A_308 = arith.cmpf oeq, %select_n3A_303, %eq3A_307 : vector<256x784xf32>
      %jit3A_309 = arith.constant 1073741824 : i32
      %broadcast_in_dim3A_310 = vector.broadcast %jit3A_309 : i32 to vector<256x784xi32>
      %select_n3A_311 = arith.select %eq3A_308, %iota3A, %broadcast_in_dim3A_310 : vector<256x784xi1>, vector<256x784xi32>
      %reduce_min3A_312 = arith.constant dense<2147483647> : vector<256xi32>
      %reduce_min3A_313 = vector.multi_reduction <minsi>, %select_n3A_311, %reduce_min3A_312 [1] : vector<256x784xi32> to vector<256xi32>
      %broadcast_in_dim3A_314 = vector.shape_cast %reduce_min3A_313 : vector<256xi32> to vector<256x1xi32>
      %eq3A_315 = vector.broadcast %broadcast_in_dim3A_314 : vector<256x1xi32> to vector<256x784xi32>
      %eq3A_316 = arith.cmpi eq, %iota3A, %eq3A_315 : vector<256x784xi32>
      %jit3A_317 = arith.constant -3.000000e+38 : f32
      %broadcast_in_dim3A_318 = vector.broadcast %jit3A_317 : f32 to vector<256x784xf32>
      %select_n3A_319 = arith.select %eq3A_316, %broadcast_in_dim3A_318, %select_n3A_303 : vector<256x784xi1>, vector<256x784xf32>
      %reduce_max3A_320 = arith.constant dense<0xFF800000> : vector<256xf32>
      %reduce_max3A_321 = vector.multi_reduction <maximumf>, %select_n3A_319, %reduce_max3A_320 [1] : vector<256x784xf32> to vector<256xf32>
      %broadcast_in_dim3A_322 = vector.shape_cast %reduce_max3A_321 : vector<256xf32> to vector<256x1xf32>
      %eq3A_323 = vector.broadcast %broadcast_in_dim3A_322 : vector<256x1xf32> to vector<256x784xf32>
      %eq3A_324 = arith.cmpf oeq, %select_n3A_319, %eq3A_323 : vector<256x784xf32>
      %jit3A_325 = arith.constant 1073741824 : i32
      %broadcast_in_dim3A_326 = vector.broadcast %jit3A_325 : i32 to vector<256x784xi32>
      %select_n3A_327 = arith.select %eq3A_324, %iota3A, %broadcast_in_dim3A_326 : vector<256x784xi1>, vector<256x784xi32>
      %reduce_min3A_328 = arith.constant dense<2147483647> : vector<256xi32>
      %reduce_min3A_329 = vector.multi_reduction <minsi>, %select_n3A_327, %reduce_min3A_328 [1] : vector<256x784xi32> to vector<256xi32>
      %broadcast_in_dim3A_330 = vector.shape_cast %reduce_min3A_329 : vector<256xi32> to vector<256x1xi32>
      %concatenate3A = tpu.concatenate %broadcast_in_dim3A_26, %broadcast_in_dim3A_42, %broadcast_in_dim3A_58, %broadcast_in_dim3A_74, %broadcast_in_dim3A_90, %broadcast_in_dim3A_106, %broadcast_in_dim3A_122, %broadcast_in_dim3A_138, %broadcast_in_dim3A_154, %broadcast_in_dim3A_170, %broadcast_in_dim3A_186, %broadcast_in_dim3A_202, %broadcast_in_dim3A_218, %broadcast_in_dim3A_234, %broadcast_in_dim3A_250, %broadcast_in_dim3A_266, %broadcast_in_dim3A_282, %broadcast_in_dim3A_298, %broadcast_in_dim3A_314, %broadcast_in_dim3A_330 in 1 : vector<256x1xi32>, vector<256x1xi32>, vector<256x1xi32>, vector<256x1xi32>, vector<256x1xi32>, vector<256x1xi32>, vector<256x1xi32>, vector<256x1xi32>, vector<256x1xi32>, vector<256x1xi32>, vector<256x1xi32>, vector<256x1xi32>, vector<256x1xi32>, vector<256x1xi32>, vector<256x1xi32>, vector<256x1xi32>, vector<256x1xi32>, vector<256x1xi32>, vector<256x1xi32>, vector<256x1xi32> -> vector<256x20xi32>
      %swap3A = arith.constant 0 : index
      %swap3A_331 = arith.constant 0 : index
      %swap3A_332 = vector.load %arg5[%swap3A, %swap3A_331] : memref<256x20xi32, #tpu.memory_space<vmem>>, vector<256x20xi32>
      tpu.vector_store %arg5[%swap3A, %swap3A_331], %concatenate3A {strides = array<i32>} : memref<256x20xi32, #tpu.memory_space<vmem>>, vector<256x20xi32>,
    } else {
    }
    return
  }
  func.func @transform_0(%arg0: i32, %arg1: i32) -> (i32, i32) {
    %c0_i32 = arith.constant 0 : i32
    %c0_i32_0 = arith.constant 0 : i32
    return %arg0, %c0_i32 : i32, i32
  }
  func.func @transform_1(%arg0: i32, %arg1: i32) -> (i32, i32) {
    %c0_i32 = arith.constant 0 : i32
    %c0_i32_0 = arith.constant 0 : i32
    return %c0_i32, %arg1 : i32, i32
  }
  func.func @transform_2(%arg0: i32, %arg1: i32) -> (i32, i32, i32) {
    %c0_i32 = arith.constant 0 : i32
    %c0_i32_0 = arith.constant 0 : i32
    return %arg0, %arg1, %c0_i32 : i32, i32, i32
  }
  func.func @transform_3(%arg0: i32, %arg1: i32) -> (i32, i32) {
    %c0_i32 = arith.constant 0 : i32
    %c0_i32_0 = arith.constant 0 : i32
    return %arg0, %c0_i32 : i32, i32
  }
}

module attributes {stable_mosaic.version = 14 : i64} {
  func.func @_stage4_body(%arg0: i32, %arg1: memref<256x2560xf32, #tpu.memory_space<vmem>>, %arg2: memref<256x20xi32, #tpu.memory_space<vmem>>, %arg3: memref<256x16xf32, #tpu.memory_space<vmem>>, %arg4: memref<256x16xi32, #tpu.memory_space<vmem>>) attributes {dimension_semantics = [#tpu.dimension_semantics<parallel>], iteration_bounds = array<i64: 16>, scalar_prefetch = 0 : i64, scratch_operands = 0 : i64, tpu.core_type = #tpu.core_type<tc>, window_params = [{transform_indices = @transform_0, window_bounds = array<i64: 256, 2560>}, {transform_indices = @transform_1, window_bounds = array<i64: 256, 20>}, {transform_indices = @transform_2, window_bounds = array<i64: 256, 16>}, {transform_indices = @transform_3, window_bounds = array<i64: 256, 16>}]} {
    %get3A = arith.constant 0 : index
    %get3A_0 = arith.constant 0 : index
    %get3A_1 = vector.load %arg1[%get3A, %get3A_0] : memref<256x2560xf32, #tpu.memory_space<vmem>>, vector<256x2560xf32>
    %get3A_2 = arith.constant 0 : index
    %get3A_3 = arith.constant 0 : index
    %get3A_4 = vector.load %arg2[%get3A_2, %get3A_3] : memref<256x20xi32, #tpu.memory_space<vmem>>, vector<256x20xi32>
    %iota3A = tpu.iota {dimensions = array<i32: 1>} : vector<256x128xi32>
    %slice3A = vector.extract_strided_slice %get3A_4 {offsets = [0, 0], sizes = [256, 1], strides = [1, 1]} : vector<256x20xi32> to vector<256x1xi32>
    %mul3A = arith.constant 128 : i32
    %mul3A_5 = vector.broadcast %mul3A : i32 to vector<256x1xi32>
    %mul3A_6 = arith.muli %slice3A, %mul3A_5 : vector<256x1xi32>
    %add3A = vector.broadcast %mul3A_6 : vector<256x1xi32> to vector<256x128xi32>
    %add3A_7 = arith.addi %add3A, %iota3A : vector<256x128xi32>
    %slice3A_8 = vector.extract_strided_slice %get3A_4 {offsets = [0, 1], sizes = [256, 1], strides = [1, 1]} : vector<256x20xi32> to vector<256x1xi32>
    %mul3A_9 = arith.constant 128 : i32
    %mul3A_10 = vector.broadcast %mul3A_9 : i32 to vector<256x1xi32>
    %mul3A_11 = arith.muli %slice3A_8, %mul3A_10 : vector<256x1xi32>
    %add3A_12 = vector.broadcast %mul3A_11 : vector<256x1xi32> to vector<256x128xi32>
    %add3A_13 = arith.addi %add3A_12, %iota3A : vector<256x128xi32>
    %slice3A_14 = vector.extract_strided_slice %get3A_4 {offsets = [0, 2], sizes = [256, 1], strides = [1, 1]} : vector<256x20xi32> to vector<256x1xi32>
    %mul3A_15 = arith.constant 128 : i32
    %mul3A_16 = vector.broadcast %mul3A_15 : i32 to vector<256x1xi32>
    %mul3A_17 = arith.muli %slice3A_14, %mul3A_16 : vector<256x1xi32>
    %add3A_18 = vector.broadcast %mul3A_17 : vector<256x1xi32> to vector<256x128xi32>
    %add3A_19 = arith.addi %add3A_18, %iota3A : vector<256x128xi32>
    %slice3A_20 = vector.extract_strided_slice %get3A_4 {offsets = [0, 3], sizes = [256, 1], strides = [1, 1]} : vector<256x20xi32> to vector<256x1xi32>
    %mul3A_21 = arith.constant 128 : i32
    %mul3A_22 = vector.broadcast %mul3A_21 : i32 to vector<256x1xi32>
    %mul3A_23 = arith.muli %slice3A_20, %mul3A_22 : vector<256x1xi32>
    %add3A_24 = vector.broadcast %mul3A_23 : vector<256x1xi32> to vector<256x128xi32>
    %add3A_25 = arith.addi %add3A_24, %iota3A : vector<256x128xi32>
    %slice3A_26 = vector.extract_strided_slice %get3A_4 {offsets = [0, 4], sizes = [256, 1], strides = [1, 1]} : vector<256x20xi32> to vector<256x1xi32>
    %mul3A_27 = arith.constant 128 : i32
    %mul3A_28 = vector.broadcast %mul3A_27 : i32 to vector<256x1xi32>
    %mul3A_29 = arith.muli %slice3A_26, %mul3A_28 : vector<256x1xi32>
    %add3A_30 = vector.broadcast %mul3A_29 : vector<256x1xi32> to vector<256x128xi32>
    %add3A_31 = arith.addi %add3A_30, %iota3A : vector<256x128xi32>
    %slice3A_32 = vector.extract_strided_slice %get3A_4 {offsets = [0, 5], sizes = [256, 1], strides = [1, 1]} : vector<256x20xi32> to vector<256x1xi32>
    %mul3A_33 = arith.constant 128 : i32
    %mul3A_34 = vector.broadcast %mul3A_33 : i32 to vector<256x1xi32>
    %mul3A_35 = arith.muli %slice3A_32, %mul3A_34 : vector<256x1xi32>
    %add3A_36 = vector.broadcast %mul3A_35 : vector<256x1xi32> to vector<256x128xi32>
    %add3A_37 = arith.addi %add3A_36, %iota3A : vector<256x128xi32>
    %slice3A_38 = vector.extract_strided_slice %get3A_4 {offsets = [0, 6], sizes = [256, 1], strides = [1, 1]} : vector<256x20xi32> to vector<256x1xi32>
    %mul3A_39 = arith.constant 128 : i32
    %mul3A_40 = vector.broadcast %mul3A_39 : i32 to vector<256x1xi32>
    %mul3A_41 = arith.muli %slice3A_38, %mul3A_40 : vector<256x1xi32>
    %add3A_42 = vector.broadcast %mul3A_41 : vector<256x1xi32> to vector<256x128xi32>
    %add3A_43 = arith.addi %add3A_42, %iota3A : vector<256x128xi32>
    %slice3A_44 = vector.extract_strided_slice %get3A_4 {offsets = [0, 7], sizes = [256, 1], strides = [1, 1]} : vector<256x20xi32> to vector<256x1xi32>
    %mul3A_45 = arith.constant 128 : i32
    %mul3A_46 = vector.broadcast %mul3A_45 : i32 to vector<256x1xi32>
    %mul3A_47 = arith.muli %slice3A_44, %mul3A_46 : vector<256x1xi32>
    %add3A_48 = vector.broadcast %mul3A_47 : vector<256x1xi32> to vector<256x128xi32>
    %add3A_49 = arith.addi %add3A_48, %iota3A : vector<256x128xi32>
    %slice3A_50 = vector.extract_strided_slice %get3A_4 {offsets = [0, 8], sizes = [256, 1], strides = [1, 1]} : vector<256x20xi32> to vector<256x1xi32>
    %mul3A_51 = arith.constant 128 : i32
    %mul3A_52 = vector.broadcast %mul3A_51 : i32 to vector<256x1xi32>
    %mul3A_53 = arith.muli %slice3A_50, %mul3A_52 : vector<256x1xi32>
    %add3A_54 = vector.broadcast %mul3A_53 : vector<256x1xi32> to vector<256x128xi32>
    %add3A_55 = arith.addi %add3A_54, %iota3A : vector<256x128xi32>
    %slice3A_56 = vector.extract_strided_slice %get3A_4 {offsets = [0, 9], sizes = [256, 1], strides = [1, 1]} : vector<256x20xi32> to vector<256x1xi32>
    %mul3A_57 = arith.constant 128 : i32
    %mul3A_58 = vector.broadcast %mul3A_57 : i32 to vector<256x1xi32>
    %mul3A_59 = arith.muli %slice3A_56, %mul3A_58 : vector<256x1xi32>
    %add3A_60 = vector.broadcast %mul3A_59 : vector<256x1xi32> to vector<256x128xi32>
    %add3A_61 = arith.addi %add3A_60, %iota3A : vector<256x128xi32>
    %slice3A_62 = vector.extract_strided_slice %get3A_4 {offsets = [0, 10], sizes = [256, 1], strides = [1, 1]} : vector<256x20xi32> to vector<256x1xi32>
    %mul3A_63 = arith.constant 128 : i32
    %mul3A_64 = vector.broadcast %mul3A_63 : i32 to vector<256x1xi32>
    %mul3A_65 = arith.muli %slice3A_62, %mul3A_64 : vector<256x1xi32>
    %add3A_66 = vector.broadcast %mul3A_65 : vector<256x1xi32> to vector<256x128xi32>
    %add3A_67 = arith.addi %add3A_66, %iota3A : vector<256x128xi32>
    %slice3A_68 = vector.extract_strided_slice %get3A_4 {offsets = [0, 11], sizes = [256, 1], strides = [1, 1]} : vector<256x20xi32> to vector<256x1xi32>
    %mul3A_69 = arith.constant 128 : i32
    %mul3A_70 = vector.broadcast %mul3A_69 : i32 to vector<256x1xi32>
    %mul3A_71 = arith.muli %slice3A_68, %mul3A_70 : vector<256x1xi32>
    %add3A_72 = vector.broadcast %mul3A_71 : vector<256x1xi32> to vector<256x128xi32>
    %add3A_73 = arith.addi %add3A_72, %iota3A : vector<256x128xi32>
    %slice3A_74 = vector.extract_strided_slice %get3A_4 {offsets = [0, 12], sizes = [256, 1], strides = [1, 1]} : vector<256x20xi32> to vector<256x1xi32>
    %mul3A_75 = arith.constant 128 : i32
    %mul3A_76 = vector.broadcast %mul3A_75 : i32 to vector<256x1xi32>
    %mul3A_77 = arith.muli %slice3A_74, %mul3A_76 : vector<256x1xi32>
    %add3A_78 = vector.broadcast %mul3A_77 : vector<256x1xi32> to vector<256x128xi32>
    %add3A_79 = arith.addi %add3A_78, %iota3A : vector<256x128xi32>
    %slice3A_80 = vector.extract_strided_slice %get3A_4 {offsets = [0, 13], sizes = [256, 1], strides = [1, 1]} : vector<256x20xi32> to vector<256x1xi32>
    %mul3A_81 = arith.constant 128 : i32
    %mul3A_82 = vector.broadcast %mul3A_81 : i32 to vector<256x1xi32>
    %mul3A_83 = arith.muli %slice3A_80, %mul3A_82 : vector<256x1xi32>
    %add3A_84 = vector.broadcast %mul3A_83 : vector<256x1xi32> to vector<256x128xi32>
    %add3A_85 = arith.addi %add3A_84, %iota3A : vector<256x128xi32>
    %slice3A_86 = vector.extract_strided_slice %get3A_4 {offsets = [0, 14], sizes = [256, 1], strides = [1, 1]} : vector<256x20xi32> to vector<256x1xi32>
    %mul3A_87 = arith.constant 128 : i32
    %mul3A_88 = vector.broadcast %mul3A_87 : i32 to vector<256x1xi32>
    %mul3A_89 = arith.muli %slice3A_86, %mul3A_88 : vector<256x1xi32>
    %add3A_90 = vector.broadcast %mul3A_89 : vector<256x1xi32> to vector<256x128xi32>
    %add3A_91 = arith.addi %add3A_90, %iota3A : vector<256x128xi32>
    %slice3A_92 = vector.extract_strided_slice %get3A_4 {offsets = [0, 15], sizes = [256, 1], strides = [1, 1]} : vector<256x20xi32> to vector<256x1xi32>
    %mul3A_93 = arith.constant 128 : i32
    %mul3A_94 = vector.broadcast %mul3A_93 : i32 to vector<256x1xi32>
    %mul3A_95 = arith.muli %slice3A_92, %mul3A_94 : vector<256x1xi32>
    %add3A_96 = vector.broadcast %mul3A_95 : vector<256x1xi32> to vector<256x128xi32>
    %add3A_97 = arith.addi %add3A_96, %iota3A : vector<256x128xi32>
    %slice3A_98 = vector.extract_strided_slice %get3A_4 {offsets = [0, 16], sizes = [256, 1], strides = [1, 1]} : vector<256x20xi32> to vector<256x1xi32>
    %mul3A_99 = arith.constant 128 : i32
    %mul3A_100 = vector.broadcast %mul3A_99 : i32 to vector<256x1xi32>
    %mul3A_101 = arith.muli %slice3A_98, %mul3A_100 : vector<256x1xi32>
    %add3A_102 = vector.broadcast %mul3A_101 : vector<256x1xi32> to vector<256x128xi32>
    %add3A_103 = arith.addi %add3A_102, %iota3A : vector<256x128xi32>
    %slice3A_104 = vector.extract_strided_slice %get3A_4 {offsets = [0, 17], sizes = [256, 1], strides = [1, 1]} : vector<256x20xi32> to vector<256x1xi32>
    %mul3A_105 = arith.constant 128 : i32
    %mul3A_106 = vector.broadcast %mul3A_105 : i32 to vector<256x1xi32>
    %mul3A_107 = arith.muli %slice3A_104, %mul3A_106 : vector<256x1xi32>
    %add3A_108 = vector.broadcast %mul3A_107 : vector<256x1xi32> to vector<256x128xi32>
    %add3A_109 = arith.addi %add3A_108, %iota3A : vector<256x128xi32>
    %slice3A_110 = vector.extract_strided_slice %get3A_4 {offsets = [0, 18], sizes = [256, 1], strides = [1, 1]} : vector<256x20xi32> to vector<256x1xi32>
    %mul3A_111 = arith.constant 128 : i32
    %mul3A_112 = vector.broadcast %mul3A_111 : i32 to vector<256x1xi32>
    %mul3A_113 = arith.muli %slice3A_110, %mul3A_112 : vector<256x1xi32>
    %add3A_114 = vector.broadcast %mul3A_113 : vector<256x1xi32> to vector<256x128xi32>
    %add3A_115 = arith.addi %add3A_114, %iota3A : vector<256x128xi32>
    %slice3A_116 = vector.extract_strided_slice %get3A_4 {offsets = [0, 19], sizes = [256, 1], strides = [1, 1]} : vector<256x20xi32> to vector<256x1xi32>
    %mul3A_117 = arith.constant 128 : i32
    %mul3A_118 = vector.broadcast %mul3A_117 : i32 to vector<256x1xi32>
    %mul3A_119 = arith.muli %slice3A_116, %mul3A_118 : vector<256x1xi32>
    %add3A_120 = vector.broadcast %mul3A_119 : vector<256x1xi32> to vector<256x128xi32>
    %add3A_121 = arith.addi %add3A_120, %iota3A : vector<256x128xi32>
    %concatenate3A = tpu.concatenate %add3A_7, %add3A_13, %add3A_19, %add3A_25, %add3A_31, %add3A_37, %add3A_43, %add3A_49, %add3A_55, %add3A_61, %add3A_67, %add3A_73, %add3A_79, %add3A_85, %add3A_91, %add3A_97, %add3A_103, %add3A_109, %add3A_115, %add3A_121 in 1 : vector<256x128xi32>, vector<256x128xi32>, vector<256x128xi32>, vector<256x128xi32>, vector<256x128xi32>, vector<256x128xi32>, vector<256x128xi32>, vector<256x128xi32>, vector<256x128xi32>, vector<256x128xi32>, vector<256x128xi32>, vector<256x128xi32>, vector<256x128xi32>, vector<256x128xi32>, vector<256x128xi32>, vector<256x128xi32>, vector<256x128xi32>, vector<256x128xi32>, vector<256x128xi32>, vector<256x128xi32> -> vector<256x2560xi32>
    %reduce_max3A = arith.constant dense<0xFF800000> : vector<256xf32>
    %reduce_max3A_122 = vector.multi_reduction <maximumf>, %get3A_1, %reduce_max3A [1] : vector<256x2560xf32> to vector<256xf32>
    %broadcast_in_dim3A = vector.shape_cast %reduce_max3A_122 : vector<256xf32> to vector<256x1xf32>
    %eq3A = vector.broadcast %broadcast_in_dim3A : vector<256x1xf32> to vector<256x2560xf32>
    %eq3A_123 = arith.cmpf oeq, %get3A_1, %eq3A : vector<256x2560xf32>
    %jit3A = arith.constant 1073741824 : i32
    %broadcast_in_dim3A_124 = vector.broadcast %jit3A : i32 to vector<256x2560xi32>
    %select_n3A = arith.select %eq3A_123, %concatenate3A, %broadcast_in_dim3A_124 : vector<256x2560xi1>, vector<256x2560xi32>
    %reduce_min3A = arith.constant dense<2147483647> : vector<256xi32>
    %reduce_min3A_125 = vector.multi_reduction <minsi>, %select_n3A, %reduce_min3A [1] : vector<256x2560xi32> to vector<256xi32>
    %broadcast_in_dim3A_126 = vector.shape_cast %reduce_min3A_125 : vector<256xi32> to vector<256x1xi32>
    %eq3A_127 = vector.broadcast %broadcast_in_dim3A_126 : vector<256x1xi32> to vector<256x2560xi32>
    %eq3A_128 = arith.cmpi eq, %concatenate3A, %eq3A_127 : vector<256x2560xi32>
    %jit3A_129 = arith.constant -3.000000e+38 : f32
    %broadcast_in_dim3A_130 = vector.broadcast %jit3A_129 : f32 to vector<256x2560xf32>
    %select_n3A_131 = arith.select %eq3A_128, %broadcast_in_dim3A_130, %get3A_1 : vector<256x2560xi1>, vector<256x2560xf32>
    %reduce_max3A_132 = arith.constant dense<0xFF800000> : vector<256xf32>
    %reduce_max3A_133 = vector.multi_reduction <maximumf>, %select_n3A_131, %reduce_max3A_132 [1] : vector<256x2560xf32> to vector<256xf32>
    %broadcast_in_dim3A_134 = vector.shape_cast %reduce_max3A_133 : vector<256xf32> to vector<256x1xf32>
    %eq3A_135 = vector.broadcast %broadcast_in_dim3A_134 : vector<256x1xf32> to vector<256x2560xf32>
    %eq3A_136 = arith.cmpf oeq, %select_n3A_131, %eq3A_135 : vector<256x2560xf32>
    %jit3A_137 = arith.constant 1073741824 : i32
    %broadcast_in_dim3A_138 = vector.broadcast %jit3A_137 : i32 to vector<256x2560xi32>
    %select_n3A_139 = arith.select %eq3A_136, %concatenate3A, %broadcast_in_dim3A_138 : vector<256x2560xi1>, vector<256x2560xi32>
    %reduce_min3A_140 = arith.constant dense<2147483647> : vector<256xi32>
    %reduce_min3A_141 = vector.multi_reduction <minsi>, %select_n3A_139, %reduce_min3A_140 [1] : vector<256x2560xi32> to vector<256xi32>
    %broadcast_in_dim3A_142 = vector.shape_cast %reduce_min3A_141 : vector<256xi32> to vector<256x1xi32>
    %eq3A_143 = vector.broadcast %broadcast_in_dim3A_142 : vector<256x1xi32> to vector<256x2560xi32>
    %eq3A_144 = arith.cmpi eq, %concatenate3A, %eq3A_143 : vector<256x2560xi32>
    %jit3A_145 = arith.constant -3.000000e+38 : f32
    %broadcast_in_dim3A_146 = vector.broadcast %jit3A_145 : f32 to vector<256x2560xf32>
    %select_n3A_147 = arith.select %eq3A_144, %broadcast_in_dim3A_146, %select_n3A_131 : vector<256x2560xi1>, vector<256x2560xf32>
    %reduce_max3A_148 = arith.constant dense<0xFF800000> : vector<256xf32>
    %reduce_max3A_149 = vector.multi_reduction <maximumf>, %select_n3A_147, %reduce_max3A_148 [1] : vector<256x2560xf32> to vector<256xf32>
    %broadcast_in_dim3A_150 = vector.shape_cast %reduce_max3A_149 : vector<256xf32> to vector<256x1xf32>
    %eq3A_151 = vector.broadcast %broadcast_in_dim3A_150 : vector<256x1xf32> to vector<256x2560xf32>
    %eq3A_152 = arith.cmpf oeq, %select_n3A_147, %eq3A_151 : vector<256x2560xf32>
    %jit3A_153 = arith.constant 1073741824 : i32
    %broadcast_in_dim3A_154 = vector.broadcast %jit3A_153 : i32 to vector<256x2560xi32>
    %select_n3A_155 = arith.select %eq3A_152, %concatenate3A, %broadcast_in_dim3A_154 : vector<256x2560xi1>, vector<256x2560xi32>
    %reduce_min3A_156 = arith.constant dense<2147483647> : vector<256xi32>
    %reduce_min3A_157 = vector.multi_reduction <minsi>, %select_n3A_155, %reduce_min3A_156 [1] : vector<256x2560xi32> to vector<256xi32>
    %broadcast_in_dim3A_158 = vector.shape_cast %reduce_min3A_157 : vector<256xi32> to vector<256x1xi32>
    %eq3A_159 = vector.broadcast %broadcast_in_dim3A_158 : vector<256x1xi32> to vector<256x2560xi32>
    %eq3A_160 = arith.cmpi eq, %concatenate3A, %eq3A_159 : vector<256x2560xi32>
    %jit3A_161 = arith.constant -3.000000e+38 : f32
    %broadcast_in_dim3A_162 = vector.broadcast %jit3A_161 : f32 to vector<256x2560xf32>
    %select_n3A_163 = arith.select %eq3A_160, %broadcast_in_dim3A_162, %select_n3A_147 : vector<256x2560xi1>, vector<256x2560xf32>
    %reduce_max3A_164 = arith.constant dense<0xFF800000> : vector<256xf32>
    %reduce_max3A_165 = vector.multi_reduction <maximumf>, %select_n3A_163, %reduce_max3A_164 [1] : vector<256x2560xf32> to vector<256xf32>
    %broadcast_in_dim3A_166 = vector.shape_cast %reduce_max3A_165 : vector<256xf32> to vector<256x1xf32>
    %eq3A_167 = vector.broadcast %broadcast_in_dim3A_166 : vector<256x1xf32> to vector<256x2560xf32>
    %eq3A_168 = arith.cmpf oeq, %select_n3A_163, %eq3A_167 : vector<256x2560xf32>
    %jit3A_169 = arith.constant 1073741824 : i32
    %broadcast_in_dim3A_170 = vector.broadcast %jit3A_169 : i32 to vector<256x2560xi32>
    %select_n3A_171 = arith.select %eq3A_168, %concatenate3A, %broadcast_in_dim3A_170 : vector<256x2560xi1>, vector<256x2560xi32>
    %reduce_min3A_172 = arith.constant dense<2147483647> : vector<256xi32>
    %reduce_min3A_173 = vector.multi_reduction <minsi>, %select_n3A_171, %reduce_min3A_172 [1] : vector<256x2560xi32> to vector<256xi32>
    %broadcast_in_dim3A_174 = vector.shape_cast %reduce_min3A_173 : vector<256xi32> to vector<256x1xi32>
    %eq3A_175 = vector.broadcast %broadcast_in_dim3A_174 : vector<256x1xi32> to vector<256x2560xi32>
    %eq3A_176 = arith.cmpi eq, %concatenate3A, %eq3A_175 : vector<256x2560xi32>
    %jit3A_177 = arith.constant -3.000000e+38 : f32
    %broadcast_in_dim3A_178 = vector.broadcast %jit3A_177 : f32 to vector<256x2560xf32>
    %select_n3A_179 = arith.select %eq3A_176, %broadcast_in_dim3A_178, %select_n3A_163 : vector<256x2560xi1>, vector<256x2560xf32>
    %reduce_max3A_180 = arith.constant dense<0xFF800000> : vector<256xf32>
    %reduce_max3A_181 = vector.multi_reduction <maximumf>, %select_n3A_179, %reduce_max3A_180 [1] : vector<256x2560xf32> to vector<256xf32>
    %broadcast_in_dim3A_182 = vector.shape_cast %reduce_max3A_181 : vector<256xf32> to vector<256x1xf32>
    %eq3A_183 = vector.broadcast %broadcast_in_dim3A_182 : vector<256x1xf32> to vector<256x2560xf32>
    %eq3A_184 = arith.cmpf oeq, %select_n3A_179, %eq3A_183 : vector<256x2560xf32>
    %jit3A_185 = arith.constant 1073741824 : i32
    %broadcast_in_dim3A_186 = vector.broadcast %jit3A_185 : i32 to vector<256x2560xi32>
    %select_n3A_187 = arith.select %eq3A_184, %concatenate3A, %broadcast_in_dim3A_186 : vector<256x2560xi1>, vector<256x2560xi32>
    %reduce_min3A_188 = arith.constant dense<2147483647> : vector<256xi32>
    %reduce_min3A_189 = vector.multi_reduction <minsi>, %select_n3A_187, %reduce_min3A_188 [1] : vector<256x2560xi32> to vector<256xi32>
    %broadcast_in_dim3A_190 = vector.shape_cast %reduce_min3A_189 : vector<256xi32> to vector<256x1xi32>
    %eq3A_191 = vector.broadcast %broadcast_in_dim3A_190 : vector<256x1xi32> to vector<256x2560xi32>
    %eq3A_192 = arith.cmpi eq, %concatenate3A, %eq3A_191 : vector<256x2560xi32>
    %jit3A_193 = arith.constant -3.000000e+38 : f32
    %broadcast_in_dim3A_194 = vector.broadcast %jit3A_193 : f32 to vector<256x2560xf32>
    %select_n3A_195 = arith.select %eq3A_192, %broadcast_in_dim3A_194, %select_n3A_179 : vector<256x2560xi1>, vector<256x2560xf32>
    %reduce_max3A_196 = arith.constant dense<0xFF800000> : vector<256xf32>
    %reduce_max3A_197 = vector.multi_reduction <maximumf>, %select_n3A_195, %reduce_max3A_196 [1] : vector<256x2560xf32> to vector<256xf32>
    %broadcast_in_dim3A_198 = vector.shape_cast %reduce_max3A_197 : vector<256xf32> to vector<256x1xf32>
    %eq3A_199 = vector.broadcast %broadcast_in_dim3A_198 : vector<256x1xf32> to vector<256x2560xf32>
    %eq3A_200 = arith.cmpf oeq, %select_n3A_195, %eq3A_199 : vector<256x2560xf32>
    %jit3A_201 = arith.constant 1073741824 : i32
    %broadcast_in_dim3A_202 = vector.broadcast %jit3A_201 : i32 to vector<256x2560xi32>
    %select_n3A_203 = arith.select %eq3A_200, %concatenate3A, %broadcast_in_dim3A_202 : vector<256x2560xi1>, vector<256x2560xi32>
    %reduce_min3A_204 = arith.constant dense<2147483647> : vector<256xi32>
    %reduce_min3A_205 = vector.multi_reduction <minsi>, %select_n3A_203, %reduce_min3A_204 [1] : vector<256x2560xi32> to vector<256xi32>
    %broadcast_in_dim3A_206 = vector.shape_cast %reduce_min3A_205 : vector<256xi32> to vector<256x1xi32>
    %eq3A_207 = vector.broadcast %broadcast_in_dim3A_206 : vector<256x1xi32> to vector<256x2560xi32>
    %eq3A_208 = arith.cmpi eq, %concatenate3A, %eq3A_207 : vector<256x2560xi32>
    %jit3A_209 = arith.constant -3.000000e+38 : f32
    %broadcast_in_dim3A_210 = vector.broadcast %jit3A_209 : f32 to vector<256x2560xf32>
    %select_n3A_211 = arith.select %eq3A_208, %broadcast_in_dim3A_210, %select_n3A_195 : vector<256x2560xi1>, vector<256x2560xf32>
    %reduce_max3A_212 = arith.constant dense<0xFF800000> : vector<256xf32>
    %reduce_max3A_213 = vector.multi_reduction <maximumf>, %select_n3A_211, %reduce_max3A_212 [1] : vector<256x2560xf32> to vector<256xf32>
    %broadcast_in_dim3A_214 = vector.shape_cast %reduce_max3A_213 : vector<256xf32> to vector<256x1xf32>
    %eq3A_215 = vector.broadcast %broadcast_in_dim3A_214 : vector<256x1xf32> to vector<256x2560xf32>
    %eq3A_216 = arith.cmpf oeq, %select_n3A_211, %eq3A_215 : vector<256x2560xf32>
    %jit3A_217 = arith.constant 1073741824 : i32
    %broadcast_in_dim3A_218 = vector.broadcast %jit3A_217 : i32 to vector<256x2560xi32>
    %select_n3A_219 = arith.select %eq3A_216, %concatenate3A, %broadcast_in_dim3A_218 : vector<256x2560xi1>, vector<256x2560xi32>
    %reduce_min3A_220 = arith.constant dense<2147483647> : vector<256xi32>
    %reduce_min3A_221 = vector.multi_reduction <minsi>, %select_n3A_219, %reduce_min3A_220 [1] : vector<256x2560xi32> to vector<256xi32>
    %broadcast_in_dim3A_222 = vector.shape_cast %reduce_min3A_221 : vector<256xi32> to vector<256x1xi32>
    %eq3A_223 = vector.broadcast %broadcast_in_dim3A_222 : vector<256x1xi32> to vector<256x2560xi32>
    %eq3A_224 = arith.cmpi eq, %concatenate3A, %eq3A_223 : vector<256x2560xi32>
    %jit3A_225 = arith.constant -3.000000e+38 : f32
    %broadcast_in_dim3A_226 = vector.broadcast %jit3A_225 : f32 to vector<256x2560xf32>
    %select_n3A_227 = arith.select %eq3A_224, %broadcast_in_dim3A_226, %select_n3A_211 : vector<256x2560xi1>, vector<256x2560xf32>
    %reduce_max3A_228 = arith.constant dense<0xFF800000> : vector<256xf32>
    %reduce_max3A_229 = vector.multi_reduction <maximumf>, %select_n3A_227, %reduce_max3A_228 [1] : vector<256x2560xf32> to vector<256xf32>
    %broadcast_in_dim3A_230 = vector.shape_cast %reduce_max3A_229 : vector<256xf32> to vector<256x1xf32>
    %eq3A_231 = vector.broadcast %broadcast_in_dim3A_230 : vector<256x1xf32> to vector<256x2560xf32>
    %eq3A_232 = arith.cmpf oeq, %select_n3A_227, %eq3A_231 : vector<256x2560xf32>
    %jit3A_233 = arith.constant 1073741824 : i32
    %broadcast_in_dim3A_234 = vector.broadcast %jit3A_233 : i32 to vector<256x2560xi32>
    %select_n3A_235 = arith.select %eq3A_232, %concatenate3A, %broadcast_in_dim3A_234 : vector<256x2560xi1>, vector<256x2560xi32>
    %reduce_min3A_236 = arith.constant dense<2147483647> : vector<256xi32>
    %reduce_min3A_237 = vector.multi_reduction <minsi>, %select_n3A_235, %reduce_min3A_236 [1] : vector<256x2560xi32> to vector<256xi32>
    %broadcast_in_dim3A_238 = vector.shape_cast %reduce_min3A_237 : vector<256xi32> to vector<256x1xi32>
    %eq3A_239 = vector.broadcast %broadcast_in_dim3A_238 : vector<256x1xi32> to vector<256x2560xi32>
    %eq3A_240 = arith.cmpi eq, %concatenate3A, %eq3A_239 : vector<256x2560xi32>
    %jit3A_241 = arith.constant -3.000000e+38 : f32
    %broadcast_in_dim3A_242 = vector.broadcast %jit3A_241 : f32 to vector<256x2560xf32>
    %select_n3A_243 = arith.select %eq3A_240, %broadcast_in_dim3A_242, %select_n3A_227 : vector<256x2560xi1>, vector<256x2560xf32>
    %reduce_max3A_244 = arith.constant dense<0xFF800000> : vector<256xf32>
    %reduce_max3A_245 = vector.multi_reduction <maximumf>, %select_n3A_243, %reduce_max3A_244 [1] : vector<256x2560xf32> to vector<256xf32>
    %broadcast_in_dim3A_246 = vector.shape_cast %reduce_max3A_245 : vector<256xf32> to vector<256x1xf32>
    %eq3A_247 = vector.broadcast %broadcast_in_dim3A_246 : vector<256x1xf32> to vector<256x2560xf32>
    %eq3A_248 = arith.cmpf oeq, %select_n3A_243, %eq3A_247 : vector<256x2560xf32>
    %jit3A_249 = arith.constant 1073741824 : i32
    %broadcast_in_dim3A_250 = vector.broadcast %jit3A_249 : i32 to vector<256x2560xi32>
    %select_n3A_251 = arith.select %eq3A_248, %concatenate3A, %broadcast_in_dim3A_250 : vector<256x2560xi1>, vector<256x2560xi32>
    %reduce_min3A_252 = arith.constant dense<2147483647> : vector<256xi32>
    %reduce_min3A_253 = vector.multi_reduction <minsi>, %select_n3A_251, %reduce_min3A_252 [1] : vector<256x2560xi32> to vector<256xi32>
    %broadcast_in_dim3A_254 = vector.shape_cast %reduce_min3A_253 : vector<256xi32> to vector<256x1xi32>
    %eq3A_255 = vector.broadcast %broadcast_in_dim3A_254 : vector<256x1xi32> to vector<256x2560xi32>
    %eq3A_256 = arith.cmpi eq, %concatenate3A, %eq3A_255 : vector<256x2560xi32>
    %jit3A_257 = arith.constant -3.000000e+38 : f32
    %broadcast_in_dim3A_258 = vector.broadcast %jit3A_257 : f32 to vector<256x2560xf32>
    %select_n3A_259 = arith.select %eq3A_256, %broadcast_in_dim3A_258, %select_n3A_243 : vector<256x2560xi1>, vector<256x2560xf32>
    %reduce_max3A_260 = arith.constant dense<0xFF800000> : vector<256xf32>
    %reduce_max3A_261 = vector.multi_reduction <maximumf>, %select_n3A_259, %reduce_max3A_260 [1] : vector<256x2560xf32> to vector<256xf32>
    %broadcast_in_dim3A_262 = vector.shape_cast %reduce_max3A_261 : vector<256xf32> to vector<256x1xf32>
    %eq3A_263 = vector.broadcast %broadcast_in_dim3A_262 : vector<256x1xf32> to vector<256x2560xf32>
    %eq3A_264 = arith.cmpf oeq, %select_n3A_259, %eq3A_263 : vector<256x2560xf32>
    %jit3A_265 = arith.constant 1073741824 : i32
    %broadcast_in_dim3A_266 = vector.broadcast %jit3A_265 : i32 to vector<256x2560xi32>
    %select_n3A_267 = arith.select %eq3A_264, %concatenate3A, %broadcast_in_dim3A_266 : vector<256x2560xi1>, vector<256x2560xi32>
    %reduce_min3A_268 = arith.constant dense<2147483647> : vector<256xi32>
    %reduce_min3A_269 = vector.multi_reduction <minsi>, %select_n3A_267, %reduce_min3A_268 [1] : vector<256x2560xi32> to vector<256xi32>
    %broadcast_in_dim3A_270 = vector.shape_cast %reduce_min3A_269 : vector<256xi32> to vector<256x1xi32>
    %eq3A_271 = vector.broadcast %broadcast_in_dim3A_270 : vector<256x1xi32> to vector<256x2560xi32>
    %eq3A_272 = arith.cmpi eq, %concatenate3A, %eq3A_271 : vector<256x2560xi32>
    %jit3A_273 = arith.constant -3.000000e+38 : f32
    %broadcast_in_dim3A_274 = vector.broadcast %jit3A_273 : f32 to vector<256x2560xf32>
    %select_n3A_275 = arith.select %eq3A_272, %broadcast_in_dim3A_274, %select_n3A_259 : vector<256x2560xi1>, vector<256x2560xf32>
    %reduce_max3A_276 = arith.constant dense<0xFF800000> : vector<256xf32>
    %reduce_max3A_277 = vector.multi_reduction <maximumf>, %select_n3A_275, %reduce_max3A_276 [1] : vector<256x2560xf32> to vector<256xf32>
    %broadcast_in_dim3A_278 = vector.shape_cast %reduce_max3A_277 : vector<256xf32> to vector<256x1xf32>
    %eq3A_279 = vector.broadcast %broadcast_in_dim3A_278 : vector<256x1xf32> to vector<256x2560xf32>
    %eq3A_280 = arith.cmpf oeq, %select_n3A_275, %eq3A_279 : vector<256x2560xf32>
    %jit3A_281 = arith.constant 1073741824 : i32
    %broadcast_in_dim3A_282 = vector.broadcast %jit3A_281 : i32 to vector<256x2560xi32>
    %select_n3A_283 = arith.select %eq3A_280, %concatenate3A, %broadcast_in_dim3A_282 : vector<256x2560xi1>, vector<256x2560xi32>
    %reduce_min3A_284 = arith.constant dense<2147483647> : vector<256xi32>
    %reduce_min3A_285 = vector.multi_reduction <minsi>, %select_n3A_283, %reduce_min3A_284 [1] : vector<256x2560xi32> to vector<256xi32>
    %broadcast_in_dim3A_286 = vector.shape_cast %reduce_min3A_285 : vector<256xi32> to vector<256x1xi32>
    %eq3A_287 = vector.broadcast %broadcast_in_dim3A_286 : vector<256x1xi32> to vector<256x2560xi32>
    %eq3A_288 = arith.cmpi eq, %concatenate3A, %eq3A_287 : vector<256x2560xi32>
    %jit3A_289 = arith.constant -3.000000e+38 : f32
    %broadcast_in_dim3A_290 = vector.broadcast %jit3A_289 : f32 to vector<256x2560xf32>
    %select_n3A_291 = arith.select %eq3A_288, %broadcast_in_dim3A_290, %select_n3A_275 : vector<256x2560xi1>, vector<256x2560xf32>
    %reduce_max3A_292 = arith.constant dense<0xFF800000> : vector<256xf32>
    %reduce_max3A_293 = vector.multi_reduction <maximumf>, %select_n3A_291, %reduce_max3A_292 [1] : vector<256x2560xf32> to vector<256xf32>
    %broadcast_in_dim3A_294 = vector.shape_cast %reduce_max3A_293 : vector<256xf32> to vector<256x1xf32>
    %eq3A_295 = vector.broadcast %broadcast_in_dim3A_294 : vector<256x1xf32> to vector<256x2560xf32>
    %eq3A_296 = arith.cmpf oeq, %select_n3A_291, %eq3A_295 : vector<256x2560xf32>
    %jit3A_297 = arith.constant 1073741824 : i32
    %broadcast_in_dim3A_298 = vector.broadcast %jit3A_297 : i32 to vector<256x2560xi32>
    %select_n3A_299 = arith.select %eq3A_296, %concatenate3A, %broadcast_in_dim3A_298 : vector<256x2560xi1>, vector<256x2560xi32>
    %reduce_min3A_300 = arith.constant dense<2147483647> : vector<256xi32>
    %reduce_min3A_301 = vector.multi_reduction <minsi>, %select_n3A_299, %reduce_min3A_300 [1] : vector<256x2560xi32> to vector<256xi32>
    %broadcast_in_dim3A_302 = vector.shape_cast %reduce_min3A_301 : vector<256xi32> to vector<256x1xi32>
    %eq3A_303 = vector.broadcast %broadcast_in_dim3A_302 : vector<256x1xi32> to vector<256x2560xi32>
    %eq3A_304 = arith.cmpi eq, %concatenate3A, %eq3A_303 : vector<256x2560xi32>
    %jit3A_305 = arith.constant -3.000000e+38 : f32
    %broadcast_in_dim3A_306 = vector.broadcast %jit3A_305 : f32 to vector<256x2560xf32>
    %select_n3A_307 = arith.select %eq3A_304, %broadcast_in_dim3A_306, %select_n3A_291 : vector<256x2560xi1>, vector<256x2560xf32>
    %reduce_max3A_308 = arith.constant dense<0xFF800000> : vector<256xf32>
    %reduce_max3A_309 = vector.multi_reduction <maximumf>, %select_n3A_307, %reduce_max3A_308 [1] : vector<256x2560xf32> to vector<256xf32>
    %broadcast_in_dim3A_310 = vector.shape_cast %reduce_max3A_309 : vector<256xf32> to vector<256x1xf32>
    %eq3A_311 = vector.broadcast %broadcast_in_dim3A_310 : vector<256x1xf32> to vector<256x2560xf32>
    %eq3A_312 = arith.cmpf oeq, %select_n3A_307, %eq3A_311 : vector<256x2560xf32>
    %jit3A_313 = arith.constant 1073741824 : i32
    %broadcast_in_dim3A_314 = vector.broadcast %jit3A_313 : i32 to vector<256x2560xi32>
    %select_n3A_315 = arith.select %eq3A_312, %concatenate3A, %broadcast_in_dim3A_314 : vector<256x2560xi1>, vector<256x2560xi32>
    %reduce_min3A_316 = arith.constant dense<2147483647> : vector<256xi32>
    %reduce_min3A_317 = vector.multi_reduction <minsi>, %select_n3A_315, %reduce_min3A_316 [1] : vector<256x2560xi32> to vector<256xi32>
    %broadcast_in_dim3A_318 = vector.shape_cast %reduce_min3A_317 : vector<256xi32> to vector<256x1xi32>
    %eq3A_319 = vector.broadcast %broadcast_in_dim3A_318 : vector<256x1xi32> to vector<256x2560xi32>
    %eq3A_320 = arith.cmpi eq, %concatenate3A, %eq3A_319 : vector<256x2560xi32>
    %jit3A_321 = arith.constant -3.000000e+38 : f32
    %broadcast_in_dim3A_322 = vector.broadcast %jit3A_321 : f32 to vector<256x2560xf32>
    %select_n3A_323 = arith.select %eq3A_320, %broadcast_in_dim3A_322, %select_n3A_307 : vector<256x2560xi1>, vector<256x2560xf32>
    %reduce_max3A_324 = arith.constant dense<0xFF800000> : vector<256xf32>
    %reduce_max3A_325 = vector.multi_reduction <maximumf>, %select_n3A_323, %reduce_max3A_324 [1] : vector<256x2560xf32> to vector<256xf32>
    %broadcast_in_dim3A_326 = vector.shape_cast %reduce_max3A_325 : vector<256xf32> to vector<256x1xf32>
    %eq3A_327 = vector.broadcast %broadcast_in_dim3A_326 : vector<256x1xf32> to vector<256x2560xf32>
    %eq3A_328 = arith.cmpf oeq, %select_n3A_323, %eq3A_327 : vector<256x2560xf32>
    %jit3A_329 = arith.constant 1073741824 : i32
    %broadcast_in_dim3A_330 = vector.broadcast %jit3A_329 : i32 to vector<256x2560xi32>
    %select_n3A_331 = arith.select %eq3A_328, %concatenate3A, %broadcast_in_dim3A_330 : vector<256x2560xi1>, vector<256x2560xi32>
    %reduce_min3A_332 = arith.constant dense<2147483647> : vector<256xi32>
    %reduce_min3A_333 = vector.multi_reduction <minsi>, %select_n3A_331, %reduce_min3A_332 [1] : vector<256x2560xi32> to vector<256xi32>
    %broadcast_in_dim3A_334 = vector.shape_cast %reduce_min3A_333 : vector<256xi32> to vector<256x1xi32>
    %eq3A_335 = vector.broadcast %broadcast_in_dim3A_334 : vector<256x1xi32> to vector<256x2560xi32>
    %eq3A_336 = arith.cmpi eq, %concatenate3A, %eq3A_335 : vector<256x2560xi32>
    %jit3A_337 = arith.constant -3.000000e+38 : f32
    %broadcast_in_dim3A_338 = vector.broadcast %jit3A_337 : f32 to vector<256x2560xf32>
    %select_n3A_339 = arith.select %eq3A_336, %broadcast_in_dim3A_338, %select_n3A_323 : vector<256x2560xi1>, vector<256x2560xf32>
    %reduce_max3A_340 = arith.constant dense<0xFF800000> : vector<256xf32>
    %reduce_max3A_341 = vector.multi_reduction <maximumf>, %select_n3A_339, %reduce_max3A_340 [1] : vector<256x2560xf32> to vector<256xf32>
    %broadcast_in_dim3A_342 = vector.shape_cast %reduce_max3A_341 : vector<256xf32> to vector<256x1xf32>
    %eq3A_343 = vector.broadcast %broadcast_in_dim3A_342 : vector<256x1xf32> to vector<256x2560xf32>
    %eq3A_344 = arith.cmpf oeq, %select_n3A_339, %eq3A_343 : vector<256x2560xf32>
    %jit3A_345 = arith.constant 1073741824 : i32
    %broadcast_in_dim3A_346 = vector.broadcast %jit3A_345 : i32 to vector<256x2560xi32>
    %select_n3A_347 = arith.select %eq3A_344, %concatenate3A, %broadcast_in_dim3A_346 : vector<256x2560xi1>, vector<256x2560xi32>
    %reduce_min3A_348 = arith.constant dense<2147483647> : vector<256xi32>
    %reduce_min3A_349 = vector.multi_reduction <minsi>, %select_n3A_347, %reduce_min3A_348 [1] : vector<256x2560xi32> to vector<256xi32>
    %broadcast_in_dim3A_350 = vector.shape_cast %reduce_min3A_349 : vector<256xi32> to vector<256x1xi32>
    %eq3A_351 = vector.broadcast %broadcast_in_dim3A_350 : vector<256x1xi32> to vector<256x2560xi32>
    %eq3A_352 = arith.cmpi eq, %concatenate3A, %eq3A_351 : vector<256x2560xi32>
    %jit3A_353 = arith.constant -3.000000e+38 : f32
    %broadcast_in_dim3A_354 = vector.broadcast %jit3A_353 : f32 to vector<256x2560xf32>
    %select_n3A_355 = arith.select %eq3A_352, %broadcast_in_dim3A_354, %select_n3A_339 : vector<256x2560xi1>, vector<256x2560xf32>
    %reduce_max3A_356 = arith.constant dense<0xFF800000> : vector<256xf32>
    %reduce_max3A_357 = vector.multi_reduction <maximumf>, %select_n3A_355, %reduce_max3A_356 [1] : vector<256x2560xf32> to vector<256xf32>
    %broadcast_in_dim3A_358 = vector.shape_cast %reduce_max3A_357 : vector<256xf32> to vector<256x1xf32>
    %eq3A_359 = vector.broadcast %broadcast_in_dim3A_358 : vector<256x1xf32> to vector<256x2560xf32>
    %eq3A_360 = arith.cmpf oeq, %select_n3A_355, %eq3A_359 : vector<256x2560xf32>
    %jit3A_361 = arith.constant 1073741824 : i32
    %broadcast_in_dim3A_362 = vector.broadcast %jit3A_361 : i32 to vector<256x2560xi32>
    %select_n3A_363 = arith.select %eq3A_360, %concatenate3A, %broadcast_in_dim3A_362 : vector<256x2560xi1>, vector<256x2560xi32>
    %reduce_min3A_364 = arith.constant dense<2147483647> : vector<256xi32>
    %reduce_min3A_365 = vector.multi_reduction <minsi>, %select_n3A_363, %reduce_min3A_364 [1] : vector<256x2560xi32> to vector<256xi32>
    %broadcast_in_dim3A_366 = vector.shape_cast %reduce_min3A_365 : vector<256xi32> to vector<256x1xi32>
    %concatenate3A_367 = tpu.concatenate %broadcast_in_dim3A, %broadcast_in_dim3A_134, %broadcast_in_dim3A_150, %broadcast_in_dim3A_166, %broadcast_in_dim3A_182, %broadcast_in_dim3A_198, %broadcast_in_dim3A_214, %broadcast_in_dim3A_230, %broadcast_in_dim3A_246, %broadcast_in_dim3A_262, %broadcast_in_dim3A_278, %broadcast_in_dim3A_294, %broadcast_in_dim3A_310, %broadcast_in_dim3A_326, %broadcast_in_dim3A_342, %broadcast_in_dim3A_358 in 1 : vector<256x1xf32>, vector<256x1xf32>, vector<256x1xf32>, vector<256x1xf32>, vector<256x1xf32>, vector<256x1xf32>, vector<256x1xf32>, vector<256x1xf32>, vector<256x1xf32>, vector<256x1xf32>, vector<256x1xf32>, vector<256x1xf32>, vector<256x1xf32>, vector<256x1xf32>, vector<256x1xf32>, vector<256x1xf32> -> vector<256x16xf32>
    %swap3A = arith.constant 0 : index
    %swap3A_368 = arith.constant 0 : index
    %swap3A_369 = vector.load %arg3[%swap3A, %swap3A_368] : memref<256x16xf32, #tpu.memory_space<vmem>>, vector<256x16xf32>
    tpu.vector_store %arg3[%swap3A, %swap3A_368], %concatenate3A_367 {strides = array<i32>} : memref<256x16xf32, #tpu.memory_space<vmem>>, vector<256x16xf32>,
    %concatenate3A_370 = tpu.concatenate %broadcast_in_dim3A_126, %broadcast_in_dim3A_142, %broadcast_in_dim3A_158, %broadcast_in_dim3A_174, %broadcast_in_dim3A_190, %broadcast_in_dim3A_206, %broadcast_in_dim3A_222, %broadcast_in_dim3A_238, %broadcast_in_dim3A_254, %broadcast_in_dim3A_270, %broadcast_in_dim3A_286, %broadcast_in_dim3A_302, %broadcast_in_dim3A_318, %broadcast_in_dim3A_334, %broadcast_in_dim3A_350, %broadcast_in_dim3A_366 in 1 : vector<256x1xi32>, vector<256x1xi32>, vector<256x1xi32>, vector<256x1xi32>, vector<256x1xi32>, vector<256x1xi32>, vector<256x1xi32>, vector<256x1xi32>, vector<256x1xi32>, vector<256x1xi32>, vector<256x1xi32>, vector<256x1xi32>, vector<256x1xi32>, vector<256x1xi32>, vector<256x1xi32>, vector<256x1xi32> -> vector<256x16xi32>
    %swap3A_371 = arith.constant 0 : index
    %swap3A_372 = arith.constant 0 : index
    %swap3A_373 = vector.load %arg4[%swap3A_371, %swap3A_372] : memref<256x16xi32, #tpu.memory_space<vmem>>, vector<256x16xi32>
    tpu.vector_store %arg4[%swap3A_371, %swap3A_372], %concatenate3A_370 {strides = array<i32>} : memref<256x16xi32, #tpu.memory_space<vmem>>, vector<256x16xi32>,
    return
  }
  func.func @transform_0(%arg0: i32) -> (i32, i32) {
    %c0_i32 = arith.constant 0 : i32
    %c0_i32_0 = arith.constant 0 : i32
    return %arg0, %c0_i32 : i32, i32
  }
  func.func @transform_1(%arg0: i32) -> (i32, i32) {
    %c0_i32 = arith.constant 0 : i32
    %c0_i32_0 = arith.constant 0 : i32
    return %arg0, %c0_i32 : i32, i32
  }
  func.func @transform_2(%arg0: i32) -> (i32, i32) {
    %c0_i32 = arith.constant 0 : i32
    %c0_i32_0 = arith.constant 0 : i32
    return %arg0, %c0_i32 : i32, i32
  }
  func.func @transform_3(%arg0: i32) -> (i32, i32) {
    %c0_i32 = arith.constant 0 : i32
    %c0_i32_0 = arith.constant 0 : i32
    return %arg0, %c0_i32 : i32, i32
  }
}

</mosaic_0001>

<sc_bundles>
// kernel: kernel.5.cloned.1.call-start
scs
__scs_entry_jumppad:
0x0: {  	(pc) =	sbr.rel $0x88, $3  }
0x1: {  	(tag) =	ssettag $0x0;
	lr =	simm.s32 $0x1  }
0x2: {  	[smem:$0x3F9E] =	sst lr;
	_ =	strace $0xD0000000  }
0x3: {  	_ = 	snop  }
0x4: {  	_ = 	snop  }
0x5: {  	_ = 	snop  }
0x6: {  	_ = 	snop  }
0x7: {  	_ = 	snop  }
__scs_overlays_trampoline_lowered:
0x8: {  	[smem:$0x3FAD] =	sst s0  }
0x9: {  	[smem:$0x3FAE] =	sst s1  }
0xa: {  	[smem:$0x3FAF] =	sst s2  }
0xb: {  	[smem:$0x3FB0] =	sst s3  }
0xc: {  	[smem:$0x3FB1] =	sst s4  }
0xd: {  	[smem:$0x3FB2] =	sst s5  }
0xe: {  	[smem:$0x3FB3] =	sst s6  }
0xf: {  	[smem:$0x3FB4] =	sst s7  }
0x10: {  	[smem:$0x3FB5] =	sst s8  }
0x11: {  	[smem:$0x3FB6] =	sst s9;
	s0 =	simm.s32 @!p0 $0x0  }
0x12: {  	s1 =	sld [smem:$0x3F9C];
	s0 =	simm.s32 @p0 $0x1  }
0x13: {  	[smem:$0x3FB7] =	sst s0;
	s0 =	simm.s32 @!p1 $0x0  }
0x14: {  	s2 =	sld [smem:$0x3F9B];
	s0 =	simm.s32 @p1 $0x1  }
0x15: {  	[smem:$0x3FB8] =	sst s0;
	s0 =	simm.s32 @!p2 $0x0  }
0x16: {  	s3 =	sld [smem:$0x3FDB];
	s0 =	simm.s32 @p2 $0x1  }
0x17: {  	s4 =	simm.s32 $0x1BF5;
	[smem:$0x3FBA] =	sst s0  }
0x18: {  	s0 =	sld [smem:$0x3F9D];
	_ =	swait.ge [sflag:s4], $0x0  }
0x19: {  	s7 =	sld [smem:$0x3F9E]  }
0x1a: {  	s8 =	sadd.s32 $0xFFFFE003, lr  }
0x1b: {  	s9 =	sadd.s32 $0xFFFFFEF7, lr;
	s5 =	simm.s32 $0xFFFFFFFF;
	p2 =	slt.u32 s8, $0xFFFFF086  }
0x1c: {  	p1 =	slt.u32 s9, $0xF7A;
	s5 =	simm.s32 @!p2 $0x0  }
0x1d: {  	s5 =	simm.s32 @p1 $0x1;
	p0 =	seq.s32 s7, s2  }
0x1e: {  	s7 =	smul.u32 @!p0 $0xF7A, s2;
	p2 =	seq.s32 @!p0 s5, $0x0  }
0x1f: {  	s9 =	smul.u32 $0xF7A, s1;
	s8 =	simm.s32 @!p0 $0x1BF5;
	p2 =	por !p2, p0  }
0x20: {  	[sflag:s8] =	ssyncset.s32 @!p0 $0xFFFFF086;
	s6 =	sadd.s32 @!p0 s3, s7;
	s7 =	simm.s32 @!p0 $0x108  }
0x21: {  	s3 =	sadd.s32 s3, s9;
	s6 =	sadd.s32 @!p0 $0x88, s6;
	s7 =	simm.s32 @p2 $0x1082  }
0x22: {  	[simem:s7], [sflag:s8] =	dma.local @!p0 [hbm:s6], $0xF7A  }
0x23: {  	s9 =	sor.u32 $0xD0000000, s2;
	s6 =	simm.s32 $0x108;
	_ =	swait.ge @!p0 [sflag:s8], $0x0  }
0x24: {  	s3 =	sadd.s32 $0x88, s3;
	s6 =	simm.s32 @!p1 $0x1082;
	[sflag:s4] =	ssyncset.s32 $0xFFFFF086  }
0x25: {  	[simem:s6], [sflag:s4] =	dma.local [hbm:s3], $0xF7A  }
0x26: {  	[smem:$0x3F9E] =	sst s1;
	(tag) =	ssettag s2;
	_ =	strace s9  }
0x27: {  	s1 =	sld [smem:$0x3FAE]  }
0x28: {  	s2 =	sld [smem:$0x3FAF]  }
0x29: {  	s4 =	sld [smem:$0x3FB1]  }
0x2a: {  	p0 =	seq.s32 s5, $0x0;
	s5 =	sld [smem:$0x3FB2]  }
0x2b: {  	s6 =	sld [smem:$0x3FB3]  }
0x2c: {  	s7 =	sld [smem:$0x3FB4]  }
0x2d: {  	s3 =	simm.s32 $0x108;
	s8 =	sld [smem:$0x3FB5]  }
0x2e: {  	s3 =	simm.s32 @!p0 $0x1082;
	s9 =	sld [smem:$0x3FB6]  }
0x2f: {  	lr =	sadd.s32 s0, s3;
	s0 =	sld [smem:$0x3FAD]  }
0x30: {  	s3 =	sld [smem:$0x3FB0]  }
0x31: {  	[smem:$0x3FB9] =	sst s10  }
0x32: {  	s10 =	sld [smem:$0x3FB7];
	_ =	sdelay $0x3  }
0x33: {  	p0 =	seq.s32 s10, $0x1;
	s10 =	sld [smem:$0x3FB9];
	_ =	sdelay $0x3  }
0x34: {  	[smem:$0x3FB9] =	sst s10  }
0x35: {  	s10 =	sld [smem:$0x3FB8];
	_ =	sdelay $0x3  }
0x36: {  	p1 =	seq.s32 s10, $0x1;
	s10 =	sld [smem:$0x3FB9];
	_ =	sdelay $0x3  }
0x37: {  	[smem:$0x3FB9] =	sst s10  }
0x38: {  	s10 =	sld [smem:$0x3FBA]  }
0x39: {  	_ = 	snop;
	(pc) =	sbr.ind lr, $3  }
0x3a: {  	_ = 	snop  }
0x3b: {  	_ = 	snop  }
0x3c: {  	p2 =	seq.s32 s10, $0x1;
	s10 =	sld [smem:$0x3FB9]  }
0x3d: {  	_ =	shalt  }
0x3e: {  	_ =	shalt  }
0x3f: {  	_ =	shalt  }
0x40: {  	_ =	shalt  }
0x41: {  	_ =	shalt  }
0x42: {  	_ =	shalt  }
0x43: {  	_ =	shalt  }
0x44: {  	_ =	shalt  }
0x45: {  	_ =	shalt  }
0x46: {  	_ =	shalt  }
0x47: {  	_ =	shalt  }
0x48: {  	_ =	shalt  }
0x49: {  	_ =	shalt  }
0x4a: {  	_ =	shalt  }
0x4b: {  	_ =	shalt  }
0x4c: {  	_ =	shalt  }
0x4d: {  	_ =	shalt  }
0x4e: {  	_ =	shalt  }
0x4f: {  	_ =	shalt  }
0x50: {  	_ =	shalt  }
0x51: {  	_ =	shalt  }
0x52: {  	_ =	shalt  }
0x53: {  	_ =	shalt  }
0x54: {  	_ =	shalt  }
0x55: {  	_ =	shalt  }
0x56: {  	_ =	shalt  }
0x57: {  	_ =	shalt  }
0x58: {  	_ =	shalt  }
0x59: {  	_ =	shalt  }
0x5a: {  	_ =	shalt  }
0x5b: {  	_ =	shalt  }
0x5c: {  	_ =	shalt  }
0x5d: {  	_ =	shalt  }
0x5e: {  	_ =	shalt  }
0x5f: {  	_ =	shalt  }
0x60: {  	_ =	shalt  }
0x61: {  	_ =	shalt  }
0x62: {  	_ =	shalt  }
0x63: {  	_ =	shalt  }
0x64: {  	_ =	shalt  }
0x65: {  	_ =	shalt  }
0x66: {  	_ =	shalt  }
0x67: {  	_ =	shalt  }
0x68: {  	_ =	shalt  }
0x69: {  	_ =	shalt  }
0x6a: {  	_ =	shalt  }
0x6b: {  	_ =	shalt  }
0x6c: {  	_ =	shalt  }
0x6d: {  	_ =	shalt  }
0x6e: {  	_ =	shalt  }
0x6f: {  	_ =	shalt  }
0x70: {  	_ =	shalt  }
0x71: {  	_ =	shalt  }
0x72: {  	_ =	shalt  }
0x73: {  	_ =	shalt  }
0x74: {  	_ =	shalt  }
0x75: {  	_ =	shalt  }
0x76: {  	_ =	shalt  }
0x77: {  	_ =	shalt  }
0x78: {  	_ =	shalt  }
0x79: {  	_ =	shalt  }
0x7a: {  	_ =	shalt  }
0x7b: {  	_ =	shalt  }
0x7c: {  	_ =	shalt  }
0x7d: {  	_ =	shalt  }
0x7e: {  	_ =	shalt  }
0x7f: {  	_ =	shalt  }
0x80: {  	_ =	shalt  }
0x81: {  	_ =	shalt  }
0x82: {  	_ =	shalt  }
0x83: {  	_ =	shalt  }
0x84: {  	_ =	shalt  }
0x85: {  	_ =	shalt  }
0x86: {  	_ =	shalt  }
0x87: {  	_ =	shalt  }
.Lfunc_end0:
.L_simem_size_0:
called_computation_lowered:
.L_overlay_start_0:
0x88: {  	s2 =	sld [smem:$0x3FD9]  }
0x89: {  	s3 =	sld [smem:$0x3FFE];
	_ =	sdelay $0x1  }
0x8a: {  	s1 =	srdreg.scid  }
0x8b: {  	s0 =	sand.u32 $0x1, s1  }
0x8c: {  	s16 =	sshll.u32 s0, $0xA;
	s2 =	sadd.s32 s3, s2  }
0x8d: {  	s2 =	sadd.s32 s2, s16  }
0x8e: {  	[smem:$0x3FC5] =	sst s2  }
0x8f: {  	_ = 	snop  }
0x90: {  	(tm) =	ssettm $0x1  }
0x91: {  	s17 =	sld [smem:$0x3FFB];
	_ =	sdelay $0x3  }
0x92: {  	_ =	strace s17  }
0x93: {  	s2 =	sld [smem:$0x3FFC];
	_ =	sdelay $0x3  }
0x94: {  	_ =	strace s2  }
0x95: {  	s2 =	sld [smem:$0x3FFD];
	_ =	sdelay $0x3  }
0x96: {  	_ =	strace s2  }
0x97: {  	_ =	strace $0x8FFFFFFF  }
0x98: {  	s18 =	sld [smem:$0x3FDB];
	_ =	sdelay $0x1  }
0x99: {  	s19 =	simm.s32 $_scs_section_size  }
0x9a: {  	s4 =	simm.s32 $_size__tile_overlayer_lowered;
	s5 =	simm.s32 $_tile_overlayer_lowered  }
0x9b: {  	s22 =	simm.s32 $0x1BFF;
	s21 =	sshll.u32 s5, $0x1;
	s2 =	sadd.s32 s19, s18  }
0x9c: {  	s6 =	simm.s32 $0x0;
	s20 =	sshll.u32 s4, $0x1;
	s4 =	sadd.s32 s21, s2  }
0x9d: {  	[timem:s6], [sflag:s22] =	dma.local [hbm:s4], s20  }
0x9e: {  	_ =	swait.ge [sflag:s22], s20  }
0x9f: {  	s3 =	ssub.s32 $0x0, s20;
	[sflag:s22] =	ssyncset.done $0x0  }
0xa0: {  	[sflag:s22] =	ssyncadd.s32 s3;
	_ =	sdelay $0x1  }
0xa1: {  	s23 =	simm.s32 $0x1B8B  }
0xa2: {  	_ =	swait.ge [sflag:s23], $0x1  }
0xa3: {  	[sflag:s23] =	ssyncset.done $0x0  }
0xa4: {  	s25 =	simm.s32 $0x1B8E;
	s24 =	sld [smem:$0x3FFE];
	[sflag:s23] =	ssyncadd.s32 $0xFFFFFFFF  }
0xa5: {  	s26 =	simm.s32 $execute0_lowered;
	[smem:$0x3FD2] =	sst s25  }
0xa6: {  	s4 =	sshll.u32 s26, $0x1;
	_ =	strace $0x80000046;
	[dreg:$0x1] =	wrdreg $0xFFFFFFFF  }
0xa7: {  	s28 =	simm.s32 $_size_execute0_lowered;
	s2 =	sadd.s32 s2, s4;
	[dreg:$0x0] =	wrdreg $0x0  }
0xa8: {  	s4 =	sshll.u32 s28, $0x1;
	[dreg:$0x2] =	wrdreg s2  }
0xa9: {  	[dreg:$0x3] =	wrdreg s4  }
0xaa: {  	[dreg:$0x4] =	wrdreg $0xC0  }
0xab: {  	_ =	task [dreg:s6], $0x5FFFF  }
0xac: {  	[dreg:$0x1] =	wrdreg $0xFFFFFFFF  }
0xad: {  	[dreg:$0x0] =	wrdreg $0x60  }
0xae: {  	[dreg:$0x2] =	wrdreg s24  }
0xaf: {  	[dreg:$0x3] =	wrdreg $0x9  }
0xb0: {  	_ =	task.clear_ibuf [dreg:s6], $0x4FFFF;
	_ =	strace $0x90000046  }
0xb1: {  	s29 =	simm.s32 $0x9;
	_ =	strace $0x8000004F  }
0xb2: {  	_ =	swait.ge [sflag:s29], $0x1  }
0xb3: {  	[sflag:s29] =	ssyncadd.s32 $0xFFFFFFFF  }
0xb4: {  	_ =	strace $0x9000004F  }
0xb5: {  	_ =	sfence  }
0xb6: {  	s30 =	sld [smem:$0x0];
	_ =	sdelay $0x2  }
0xb7: {  	s31 =	sshll.u32 s1, $0xD;
	s1 =	sshrl.u32 s1, $0x2  }
0xb8: {  	s3 =	sand.u32 $0x4000, s31;
	s1 =	sadd.s32 s1, s30  }
0xb9: {  	s0 =	sor.u32 s3, s0;
	s1 =	sshll.u32 s1, $0x11  }
0xba: {  	s0 =	sor.u32 s1, s0  }
0xbb: {  	s0 =	sadd.s32 $0x8F2B, s0  }
0xbc: {  	[sflag:s0] =	ssyncadd.remote.s32 $0x1  }
0xbd: {  	_ =	sfence.sel $0xFFFF  }
0xbe: {  	[dreg:$0x0] =	wrdreg $0xFFFFFFFF;
	(pc) =	sbr.abs _section_cstart, $3  }
0xbf: {  	[dreg:$0x1] =	wrdreg $0xFFFFFFFF  }
0xc0: {  	_ =	task.clear_ibuf [dreg:s6], $0x2FFFF;
	_ =	strace $0x9FFFFFFF  }
0xc1: {  	(tm) =	ssettm $0x7FFFFFFF  }
tec
execute0_lowered:
.L_overlay_start_1:
0x0: {  	(tag) =	ssettag $0x1  }
0x1: {  	s3 =	rddreg [dreg:$0x0]  }
0x2: {  	s0 =	rddreg [dreg:$0x1];
	s1 =	simm.s32 $0x0;
	s2 =	srdreg.scid  }
0x3: {  	s31 =	simm.s32 $0x80;
	s9 =	simm.s32 $0x4;
	s10 =	simm.s32 $0x0  }
0x4: {  	[smem:$0x7FF] =	sst s1;
	s4 =	sand.u32 $0x1, s2;
	s5 =	sadd.s32 $0x600, s3  }
0x5: {  	s2 =	stileid.u32;
	s29 =	sadd.s32 $0x3112E00, s3;
	s3 =	sadd.s32 $0x3110600, s3  }
0x6: {  	_ =	strace $0x80000047;
	s6 =	sshll.u32 s4, $0x4;
	[dreg:$0x2] =	wrdreg s5  }
0x7: {  	s4 =	ssub.s32 $0x2, s4;
	[dreg:$0x4] =	wrdreg s29;
	s28 =	sor.u32 s2, s6  }
0x8: {  	[dreg:$0x3] =	wrdreg s31;
	s7 =	sshrl.u32 s4, $0x1;
	s8 =	smul.u32 $0x140, s28  }
0x9: {  	s30 =	ssub.s32 s4, s7;
	s4 =	smul.u32 $0x14, s28;
	s7 =	simm.s32 $0x1  }
0xa: {  	s6 =	smax.u32 s30, $0x1;
	s5 =	sadd.s32 s3, s8;
	s8 =	simm.s32 $0x5  }
.LBB2_1:
0xb: {  	_ =	strace $0x80000048;
	s11 =	simm.s32 $0x1;
	p0 =	por $0x0, $0x0  }
0xc: {  	[tilespmem:s1], [sflag:$0x1] =	stream.linear.gather [hbm4b:s5+s1], $0x80, $0x200038;
	[tilespmem:$0x8100] =	vst v63  }
0xd: {  	s11 =	simm.s32 @p0 $0x0  }
0xe: {  	p4 =	por $0x1, $0x1;
	s20 =	sand.u32 $0x1, s1;
	p1 =	sne.s32 s11, $0x0  }
0xf: {  	p2 =	por $0x1, $0x1;
	s18 =	simm.s32 $0x12;
	p0 =	por !p4, !p1  }
0x10: {  	s16 =	simm.s32 $0x0;
	p5 =	por $0x0, $0x0;
	p0 =	por !p0, !p0  }
0x11: {  	s23 =	sadd.s32 $0x0, s4;
	s30 =	sadd.s32 $0x1, s20;
	s12 =	sadd.s32 @p0 s4, s11  }
0x12: {  	_ =	strace $0x90000048;
	s13 =	sand.u32 @p0 $0x1, s7;
	s12 =	sshll.u32 @p0 s12, $0x4  }
0x13: {  	_ =	strace @p0 $0x80000049;
	s15 =	simm.s32 @p0 $0x0;
	s12 =	sand.u32 @p0 $0x1FFFFFF0, s12  }
0x14: {  	s14 =	sshll.u32 @p0 s13, $0x7;
	s13 =	sadd.s32 @p0 $0x1, s13;
	s12 =	sadd.s32 @p0 s3, s12  }
0x15: {  	[tilespmem:s14], [sflag:s13] =	stream.linear.gather @p0 [hbm4b:s12+s15], $0x80, $0x200038;
	[tilespmem:$0x8100] =	vst v63  }
0x16: {  	p3 =	por p2, p2;
	s21 =	sshll.u32 s20, $0xE;
	_ =	strace @p0 $0x90000049  }
0x17: {  	s16 =	sand.u32 $0x80, s16;
	p2 =	por p5, p5;
	_ =	strace $0x8000004A  }
0x18: {  	s17 =	sadd.s32 $0x1, s11;
	s22 =	sor.u32 $0x100, s21;
	_ =	swait.ge [sflag:s30], $0x80  }
0x19: {  	s21 =	simm.s32 $0x1;
	p6 =	por p1, p1;
	[sflag:s30] =	ssyncset.done $0x0  }
0x1a: {  	p1 =	por p3, p3;
	p4 =	por $0x1, $0x1;
	[sflag:s30] =	ssyncadd.s32 $0xFFFFFF80  }
0x1b: {  	s12 =	simm.s32 $0x13;
	s15 =	sand.u32 @!p3 $0x1, s1;
	_ =	strace $0x9000004A  }
0x1c: {  	s13 =	simm.s32 $0x1;
	p3 =	seq.s32 s17, $0x14;
	_ =	strace $0x8000004B  }
0x1d: {  	s13 =	simm.s32 @!p0 $0x0;
	s17 =	simm.s32 @p3 $0x0;
	s19 =	rddreg [dreg:$0x3]  }
0x1e: {  	p0 =	por $0x0, $0x0;
	s14 =	sadd.s32 $0x1, s13;
	s31 =	rddreg [dreg:$0x2]  }
0x1f: {  	[tilespmem:s22], [sflag:$0x5] =	stream.indirect.gather [hbm4b:s31+s19], $0x80, s16, s19, $0x2000b8;
	[tilespmem:$0x8100] =	vst v63  }
0x20: {  	p3 =	sne.s32 s11, s17;
	s21 =	simm.s32 @!p0 $0x0;
	_ =	swait.ge [sflag:s8], $0x4000  }
0x21: {  	p5 =	por !p4, !p3;
	p4 =	por $0x0, $0x0;
	[sflag:s8] =	ssyncset.done $0x0  }
0x22: {  	s13 =	simm.s32 $0x0;
	p6 =	por p4, p6;
	[sflag:s8] =	ssyncadd.s32 $0xFFFFC000  }
0x23: {  	s16 =	simm.s32 $0x0;
	s19 =	simm.s32 $0x0;
	_ =	strace $0x9000004B  }
.LBB2_2:
0x24: {  	_ =	strace @p6 $0x8000004C;
	s13 =	sadd.s32 s21, s13;
	s21 =	smov.u32 s12  }
0x25: {  	s12 =	smov.u32 s18;
	s18 =	sadd.s32 $0xFFFFFFFF, s18;
	p0 =	por p3, p3  }
0x26: {  	s28 =	sshll.u32 @p6 s23, $0xB;
	s20 =	sadd.s32 @p6 $0x3, s20;
	s24 =	simm.s32 @!p0 $0x0  }
0x27: {  	s25 =	rddreg [dreg:$0x4];
	s28 =	sand.u32 @p6 $0x1FFFF800, s28;
	s24 =	simm.s32 @p0 $0x1  }
0x28: {  	s25 =	sadd.s32 @p6 s25, s28;
	s28 =	simm.s32 @p6 $0x0;
	p0 =	sne.s32 s18, $0x0  }
0x29: {  	[hbm4b:s25+s28] =	stream.linear.scatter @p6 [tilespmem:s22], [sflag:s20], $0x4000, $0x200038;
	[tilespmem:$0x8100] =	vst v63  }
0x2a: {  	s20 =	sadd.s32 @!p1 $0x3, s15;
	s15 =	simm.s32 @!p0 $0x0  }
0x2b: {  	s26 =	simm.s32 $0x1;
	[smem:$0x7FC] =	sst s24;
	s15 =	simm.s32 @p0 $0x1  }
0x2c: {  	s26 =	simm.s32 @!p6 $0x0;
	_ =	strace @p6 $0x9000004C;
	[smem:$0x7FD] =	sst s15  }
0x2d: {  	p5 =	por !p5, !p5;
	s19 =	sadd.s32 s26, s19;
	_ =	strace @!p1 $0x8000004D  }
0x2e: {  	s24 =	sand.u32 @!p2 $0x1, s13;
	s22 =	sand.u32 @p5 $0x1, s14;
	_ =	swait.ge @!p1 [sflag:s20], $0x4000  }
0x2f: {  	s15 =	smov.u32 s24;
	s24 =	sadd.s32 @p5 s4, s17;
	[sflag:s20] =	ssyncset.done @!p1 $0x0  }
0x30: {  	s25 =	sshll.u32 @p5 s22, $0x7;
	s24 =	sshll.u32 @p5 s24, $0x4;
	[sflag:s20] =	ssyncadd.s32 @!p1 $0xFFFFC000  }
0x31: {  	s20 =	sadd.s32 @p5 $0x1, s22;
	s22 =	sand.u32 @p5 $0x1FFFFFF0, s24;
	_ =	strace @!p1 $0x9000004D  }
0x32: {  	s24 =	simm.s32 @p5 $0x0;
	s22 =	sadd.s32 @p5 s3, s22;
	_ =	strace @p5 $0x80000049  }
0x33: {  	[tilespmem:s25], [sflag:s20] =	stream.linear.gather @p5 [hbm4b:s22+s24], $0x80, $0x200038;
	[tilespmem:$0x8100] =	vst v63  }
0x34: {  	s16 =	sadd.s32 s26, s16;
	s26 =	sand.u32 $0x1, s19;
	_ =	strace @p5 $0x90000049  }
0x35: {  	s24 =	sadd.s32 $0x1, s26;
	_ =	strace $0x8000004A  }
0x36: {  	_ =	swait.ge [sflag:s24], $0x80  }
0x37: {  	[sflag:s24] =	ssyncset.done $0x0  }
0x38: {  	s20 =	simm.s32 $0x1;
	[sflag:s24] =	ssyncadd.s32 $0xFFFFFF80  }
0x39: {  	s20 =	simm.s32 @!p5 $0x0;
	_ =	strace $0x9000004A  }
0x3a: {  	s14 =	sadd.s32 s20, s14;
	s20 =	sand.u32 $0x1, s16;
	_ =	strace $0x8000004B  }
0x3b: {  	s29 =	sshll.u32 s19, $0x7;
	s25 =	sshll.u32 s20, $0xE;
	s26 =	rddreg [dreg:$0x3]  }
0x3c: {  	s29 =	sand.u32 $0x80, s29;
	s22 =	sor.u32 $0x100, s25;
	s30 =	rddreg [dreg:$0x2]  }
0x3d: {  	[tilespmem:s22], [sflag:$0x5] =	stream.indirect.gather [hbm4b:s30+s26], $0x80, s29, s26, $0x2000b8;
	[tilespmem:$0x8100] =	vst v63  }
0x3e: {  	_ =	swait.ge [sflag:s8], $0x4000  }
0x3f: {  	s31 =	sadd.s32 $0x1, s17;
	[sflag:s8] =	ssyncset.done $0x0  }
0x40: {  	s23 =	sadd.s32 s4, s11;
	s11 =	smov.u32 s17;
	[sflag:s8] =	ssyncadd.s32 $0xFFFFC000  }
0x41: {  	p3 =	seq.s32 s31, $0x14;
	s17 =	smov.u32 s31;
	_ =	strace $0x9000004B  }
0x42: {  	s17 =	simm.s32 @p3 $0x0;
	s31 =	sld [smem:$0x7FD]  }
0x43: {  	p6 =	sne.s32 s12, $0x1;
	p0 =	sne.s32 s21, $0x14;
	p3 =	sne.s32 s11, s17  }
0x44: {  	p5 =	por !p6, !p3;
	p6 =	seq.s32 s21, $0x1;
	s21 =	simm.s32 $0x1  }
0x45: {  	s21 =	simm.s32 @!p0 $0x0;
	p0 =	seq.s32 s31, $0x1  }
.Ltmp0:
0x46: {  	s30 =	sld [smem:$0x7FC];
	(pc) =	sbr.rel @p0 .LBB2_2-.Ltmp0, $4  }
0x47: {  	_ = 	snop  }
0x48: {  	p4 =	seq.s32 s12, $0x14  }
0x49: {  	p1 =	por p2, p2;
	p2 =	por p4, p4;
	p4 =	seq.s32 s30, $0x1  }
0x4a: {  	p6 =	por p6, p4  }
0x4b: {  	_ =	strace @p6 $0x8000004C;
	s23 =	sshll.u32 @p6 s23, $0xB  }
0x4c: {  	s18 =	rddreg [dreg:$0x4];
	s23 =	sand.u32 @p6 $0x1FFFF800, s23  }
0x4d: {  	s20 =	sadd.s32 @p6 $0x3, s20;
	s18 =	sadd.s32 @p6 s18, s23;
	s23 =	simm.s32 @p6 $0x0  }
0x4e: {  	[hbm4b:s18+s23] =	stream.linear.scatter @p6 [tilespmem:s22], [sflag:s20], $0x4000, $0x200038;
	[tilespmem:$0x8100] =	vst v63  }
0x4f: {  	p0 =	por !p5, !p5;
	_ =	strace @p6 $0x9000004C  }
0x50: {  	s15 =	sadd.s32 @!p1 $0x3, s15;
	s17 =	sadd.s32 @p0 s4, s17;
	_ =	strace @!p1 $0x8000004D  }
0x51: {  	s14 =	sand.u32 @p0 $0x1, s14;
	s17 =	sshll.u32 @p0 s17, $0x4;
	_ =	swait.ge @!p1 [sflag:s15], $0x4000  }
0x52: {  	s18 =	simm.s32 $0x1;
	s20 =	sshll.u32 @p0 s14, $0x7;
	[sflag:s15] =	ssyncset.done @!p1 $0x0  }
0x53: {  	s14 =	sadd.s32 @p0 $0x1, s14;
	s18 =	simm.s32 @!p6 $0x0;
	[sflag:s15] =	ssyncadd.s32 @!p1 $0xFFFFC000  }
0x54: {  	s19 =	sadd.s32 s18, s19;
	s15 =	sand.u32 @p0 $0x1FFFFFF0, s17;
	_ =	strace @!p1 $0x9000004D  }
0x55: {  	s17 =	simm.s32 @p0 $0x0;
	s15 =	sadd.s32 @p0 s3, s15;
	_ =	strace @p0 $0x80000049  }
0x56: {  	[tilespmem:s20], [sflag:s14] =	stream.linear.gather @p0 [hbm4b:s15+s17], $0x80, $0x200038;
	[tilespmem:$0x8100] =	vst v63  }
0x57: {  	s25 =	sand.u32 $0x1, s19;
	_ =	strace @p0 $0x90000049  }
0x58: {  	s14 =	sadd.s32 $0x1, s25;
	_ =	strace $0x8000004A  }
0x59: {  	_ =	swait.ge [sflag:s14], $0x80  }
0x5a: {  	[sflag:s14] =	ssyncset.done $0x0  }
0x5b: {  	[sflag:s14] =	ssyncadd.s32 $0xFFFFFF80  }
0x5c: {  	s26 =	sadd.s32 s18, s16;
	_ =	strace $0x9000004A  }
0x5d: {  	s14 =	sand.u32 $0x1, s26;
	_ =	strace $0x8000004B  }
0x5e: {  	s30 =	sshll.u32 s19, $0x7;
	s31 =	sshll.u32 s14, $0xE;
	s28 =	rddreg [dreg:$0x3]  }
0x5f: {  	s17 =	sand.u32 $0x80, s30;
	s18 =	sor.u32 $0x100, s31;
	s29 =	rddreg [dreg:$0x2]  }
0x60: {  	[tilespmem:s18], [sflag:$0x5] =	stream.indirect.gather [hbm4b:s29+s28], $0x80, s17, s28, $0x2000b8;
	[tilespmem:$0x8100] =	vst v63  }
0x61: {  	_ =	swait.ge [sflag:s8], $0x4000  }
0x62: {  	[sflag:s8] =	ssyncset.done $0x0  }
0x63: {  	p5 =	por p3, p3;
	p6 =	seq.s32 s12, $0x1;
	[sflag:s8] =	ssyncadd.s32 $0xFFFFC000  }
0x64: {  	s11 =	sadd.s32 s4, s11;
	p0 =	por p6, p5;
	_ =	strace $0x9000004B  }
0x65: {  	s11 =	sshll.u32 @p0 s11, $0xB;
	_ =	strace @p0 $0x8000004C  }
0x66: {  	s13 =	sadd.s32 s21, s13;
	s11 =	sand.u32 @p0 $0x1FFFF800, s11;
	s12 =	rddreg [dreg:$0x4]  }
0x67: {  	s14 =	sadd.s32 @p0 $0x3, s14;
	s11 =	sadd.s32 @p0 s12, s11;
	s12 =	simm.s32 @p0 $0x0  }
0x68: {  	[hbm4b:s11+s12] =	stream.linear.scatter @p0 [tilespmem:s18], [sflag:s14], $0x4000, $0x200038;
	[tilespmem:$0x8100] =	vst v63  }
0x69: {  	p1 =	por p2, p2;
	s11 =	sand.u32 @!p2 $0x1, s13;
	_ =	strace @p0 $0x9000004C  }
0x6a: {  	s11 =	sadd.s32 @!p1 $0x3, s11;
	_ =	strace @!p1 $0x8000004D  }
0x6b: {  	_ =	swait.ge @!p1 [sflag:s11], $0x4000  }
0x6c: {  	[sflag:s11] =	ssyncset.done @!p1 $0x0  }
0x6d: {  	s10 =	sadd.s32 $0x1, s10;
	[sflag:s11] =	ssyncadd.s32 @!p1 $0xFFFFC000  }
0x6e: {  	p0 =	sne.s32 s10, s6;
	_ =	strace @!p1 $0x9000004D  }
.Ltmp1:
0x6f: {  	_ =	strace $0x8000004E;
	(pc) =	sbr.rel @p0 .LBB2_1-.Ltmp1, $4  }
0x70: {  	_ =	swait.ge [sflag:s9], $0x4000  }
0x71: {  	[sflag:s9] =	ssyncset.done $0x0  }
0x72: {  	[sflag:s9] =	ssyncadd.s32 $0xFFFFC000  }
0x73: {  	_ =	strace $0x9000004E  }
0x74: {  	_ =	sfence.sel $0x180000  }
0x75: {  	[bflag:$0x0] =	sbarrier.arrive $0xFFFF  }
0x76: {  	p0 =	sne.s32 s2, $0x0;
	_ =	strace $0x90000047  }
0x77: {  	s0 =	sadd.s32 @!p0 $0x100000, s0;
	[bflag:$0x2] =	sbarrier.arrive $0xFFFF  }
0x78: {  	[sflag:s0] =	ssyncadd.tile.s32 @!p0 $0x1;
	_ =	shalt  }
.Lfunc_end2:
_tile_overlayer_lowered:
.L_overlay_start_2:
0x79: {  	(tag) =	ssettag $0x2  }
0x7a: {  	s0 =	rddreg [dreg:$0x0];
	s2 =	stileid.u32  }
0x7b: {  	s1 =	rddreg [dreg:$0x1];
	p0 =	sne.s32 s2, $0x0  }
0x7c: {  	s3 =	rddreg [dreg:$0x2];
	[bflag:$0x3] =	sbarrier.arrive $0xFFFF;
	s2 =	simm.s32 @!p0 $0x1C01  }
0x7d: {  	[timem:s3], [sflag:s2] =	dma.local @!p0 [hbm:s0], s1  }
0x7e: {  	s0 =	simm.s32 @!p0 $0x1  }
0x7f: {  	_ =	swait.ge @!p0 [sflag:s0], s1  }
0x80: {  	s1 =	ssub.s32 @!p0 $0x0, s1;
	[sflag:s0] =	ssyncset.done @!p0 $0x0  }
0x81: {  	[sflag:s0] =	ssyncadd.s32 @!p0 s1  }
0x82: {  	[bflag:$0x3] =	sbarrier.arrive $0xFFFF  }
0x83: {  	_ =	shalt  }

</sc_bundles>
